<compile_context>
chip_gen: v7x
topology: tpu7x:2x2x1
jax: 0.10.2.dev20260603
libtpu: 0.0.44.dev20260713+nightly
codegen_flags: <defaults>
</compile_context>

<pallas_src>
import functools

import jax
import jax.numpy as jnp
from jax import lax
from jax.experimental import pallas as pl
from jax.experimental.pallas import tpu as pltpu
from jax.experimental.pallas import tpu_sc as plsc

N_NODES = 10000
N_PAD = 10112
OUT_F = 128
NC = 2
NS = 16
NW = NC * NS
WIN = 128
N_MAIN = 78
E_MAIN = NW * N_MAIN * WIN
LANES = 16
NBUF = 3


def _sc_partial_sums(edge, edge_w):
    rows_per_tile = N_PAD // NS
    n_tail_tiles = (edge_w.shape[0] - E_MAIN) // WIN
    mesh = plsc.VectorSubcoreMesh(core_axis_name="c", subcore_axis_name="s")

    @functools.partial(
        pl.kernel,
        out_type=jax.ShapeDtypeStruct((NC, N_PAD, OUT_F), jnp.float32),
        mesh=mesh,
        scratch_types=[
            pltpu.VMEM_SHARED((N_PAD, OUT_F), jnp.float32),
            pltpu.VMEM((WIN, OUT_F), jnp.float32),
            pltpu.VMEM((WIN, OUT_F), jnp.float32),
            pltpu.VMEM((WIN, OUT_F), jnp.float32),
            pltpu.VMEM((WIN,), jnp.int32),
            pltpu.VMEM((WIN,), jnp.int32),
            pltpu.VMEM((WIN,), jnp.int32),
            pltpu.SemaphoreType.DMA,
            pltpu.SemaphoreType.DMA,
            pltpu.SemaphoreType.DMA,
            pltpu.SemaphoreType.DMA,
        ],
    )
    def grouped(edge_hbm, ew_hbm, out_hbm, acc, buf0, buf1, buf2,
                idx0, idx1, idx2, sem0, sem1, sem2, zsem):
        c = lax.axis_index("c")
        s = lax.axis_index("s")
        wid = c * NS + s
        row0 = s * rows_per_tile
        main0 = wid * (N_MAIN * WIN)
        has_tail = wid < n_tail_tiles
        n_wins = N_MAIN + has_tail.astype(jnp.int32)

        def wbase(j):
            return pl.multiple_of(
                jnp.where(j < N_MAIN, main0 + j * WIN, E_MAIN + wid * WIN),
                WIN)

        def fetch(j, buf, idxb, sem):
            base = wbase(j)
            pltpu.async_copy(edge_hbm.at[0, pl.ds(base, WIN)], idxb, sem)
            pltpu.async_copy(ew_hbm.at[pl.ds(base, WIN)], buf, sem)

        slots = ((buf0, idx0, sem0), (buf1, idx1, sem1), (buf2, idx2, sem2))
        for b in range(1, NBUF):
            fetch(jnp.int32(b), *slots[b])

        zvec = jnp.zeros((LANES,), jnp.float32)

        def zrow(r, carry):
            for l in range(OUT_F // LANES):
                buf0[r, pl.ds(pl.multiple_of(l * LANES, LANES), LANES)] = zvec
            return carry

        lax.fori_loop(0, WIN, zrow, 0)
        n_zcopies = rows_per_tile // WIN
        z_rem = rows_per_tile - n_zcopies * WIN
        for k in range(n_zcopies):
            pltpu.async_copy(buf0, acc.at[pl.ds(row0 + k * WIN, WIN)], zsem)
        pltpu.async_copy(buf0.at[pl.ds(0, z_rem)],
                         acc.at[pl.ds(row0 + n_zcopies * WIN, z_rem)], zsem)
        for k in range(n_zcopies):
            pltpu.make_async_copy(buf0, acc.at[pl.ds(row0 + k * WIN, WIN)],
                                  zsem).wait()
        pltpu.make_async_copy(buf0.at[pl.ds(0, z_rem)],
                              acc.at[pl.ds(row0 + n_zcopies * WIN, z_rem)],
                              zsem).wait()

        dummy_i = edge_hbm.at[0, pl.ds(main0, WIN)]
        dummy_w = ew_hbm.at[pl.ds(main0, WIN)]

        def fetch_wait(buf, idxb, sem):
            pltpu.make_async_copy(dummy_i, idxb, sem).wait()
            pltpu.make_async_copy(dummy_w, buf, sem).wait()

        fetch(jnp.int32(0), *slots[0])

        plsc.subcore_barrier()

        def body(g, carry):
            for b in range(NBUF):
                j = NBUF * g + b
                buf, idxb, sem = slots[b]

                @pl.when(j < n_wins)
                def _win():
                    fetch_wait(buf, idxb, sem)
                    pltpu.sync_copy(buf, acc.at[idxb], add=True)

                    @pl.when(j + NBUF < n_wins)
                    def _refill():
                        fetch(j + NBUF, buf, idxb, sem)

            return carry

        lax.fori_loop(0, (N_MAIN + 1 + NBUF - 1) // NBUF, body, 0)
        plsc.subcore_barrier()

        pltpu.sync_copy(acc.at[pl.ds(row0, rows_per_tile)],
                        out_hbm.at[c, pl.ds(row0, rows_per_tile)])

    return grouped(edge, edge_w)


def _combine(partials):
    n_blk = 5
    blk = N_NODES // n_blk

    def body(p_ref, o_ref):
        o_ref[...] = p_ref[0] + p_ref[1]

    return pl.pallas_call(
        body,
        grid=(n_blk,),
        in_specs=[pl.BlockSpec((2, blk, OUT_F), lambda i: (0, i, 0))],
        out_specs=pl.BlockSpec((blk, OUT_F), lambda i: (i, 0)),
        out_shape=jax.ShapeDtypeStruct((N_NODES, OUT_F), jnp.float32),
    )(partials)


def kernel(edge, edge_w, N, E, out_features, CUDA):
    partials = _sc_partial_sums(edge, edge_w)
    return _combine(partials)

# --- scband reference (transcript-rebuilt; emitter-appended) ---
"""Pipeline reference for scband-special-spmm-final-84859963834577 (READ-ONLY COPY).

The authoritative reference and input builder live on the scoring server;
editing this copy changes nothing except your own understanding.
"""

import jax, jax.numpy as jnp
import numpy as np

N_NODES = 10000
N_EDGES = 320000
OUT_FEATURES = 128


def setup_inputs(seed: int = 0) -> dict:
    key = jax.random.key(seed)
    k1, k2 = jax.random.split(key)
    edge = jax.random.randint(k1, (2, N_EDGES), 0, N_NODES, dtype=jnp.int32)
    edge_w = jax.random.normal(k2, (N_EDGES, OUT_FEATURES), dtype=jnp.float32)
    return {
        "edge": edge,
        "edge_w": edge_w,
        "N": N_NODES,
        "E": N_EDGES,
        "out_features": OUT_FEATURES,
        "CUDA": False,
    }


def reference(edge, edge_w, N, E, out_features, CUDA):
    # torch.sparse_coo_tensor(edge, edge_w, [N, N, out_features]) followed by
    # torch.sparse.sum(a, dim=1).to_dense() is exactly a segment-sum of the
    # edge values keyed by the source index edge[0] (duplicates coalesce-add).
    zero = (
        jnp.asarray(N) * 0
        + jnp.asarray(E) * 0
        + jnp.asarray(out_features) * 0
        + jnp.asarray(CUDA, dtype=jnp.int32) * 0
    ).astype(edge_w.dtype)
    out = jax.ops.segment_sum(edge_w, edge[0], num_segments=N_NODES) + zero
    return out

if __name__ == "__main__":
    import jax
    _d = setup_inputs()
    print(jax.jit(kernel)(*tuple(_d.values())))

</pallas_src>

<mosaic_0001>
#map = affine_map<(d0, d1) -> (0, 0)>
#map1 = affine_map<(d0, d1) -> (0, 0, 0)>
module attributes {stable_mosaic.version = 14 : i64} {
  func.func @grouped(%arg0: i32, %arg1: i32, %arg2: memref<2x320000xi32, #tpu.memory_space<hbm>>, %arg3: memref<320000x128xf32, #tpu.memory_space<hbm>>, %arg4: memref<2x10112x128xf32, #tpu.memory_space<hbm>>, %arg5: memref<10112x128xf32, #tpu.memory_space<vmem_shared>>, %arg6: memref<128x128xf32, #tpu.memory_space<vmem>>, %arg7: memref<128x128xf32, #tpu.memory_space<vmem>>, %arg8: memref<128x128xf32, #tpu.memory_space<vmem>>, %arg9: memref<128xi32, #tpu.memory_space<vmem>>, %arg10: memref<128xi32, #tpu.memory_space<vmem>>, %arg11: memref<128xi32, #tpu.memory_space<vmem>>, %arg12: memref<!tpu.dma_semaphore, #tpu.memory_space<semaphore_mem>>, %arg13: memref<!tpu.dma_semaphore, #tpu.memory_space<semaphore_mem>>, %arg14: memref<!tpu.dma_semaphore, #tpu.memory_space<semaphore_mem>>, %arg15: memref<!tpu.dma_semaphore, #tpu.memory_space<semaphore_mem>>) attributes {dimension_semantics = [#tpu.dimension_semantics<core_parallel>, #tpu.dimension_semantics<subcore_parallel>], iteration_bounds = array<i64: 2, 16>, scalar_prefetch = 0 : i64, scratch_operands = 11 : i64, tpu.core_type = #tpu.core_type<sc_vector_subcore>, window_params = [{transform_indices = #map}, {transform_indices = #map}, {transform_indices = #map1}]} {
    %mul3A = arith.constant 16 : i32
    %mul3A_0 = arith.muli %arg0, %mul3A : i32
    %add3A = arith.addi %mul3A_0, %arg1 : i32
    %mul3A_1 = arith.constant 632 : i32
    %mul3A_2 = arith.muli %arg1, %mul3A_1 : i32
    %mul3A_3 = arith.constant 9984 : i32
    %mul3A_4 = arith.muli %add3A, %mul3A_3 : i32
    %lt3A = arith.constant 4 : i32
    %lt3A_5 = arith.cmpi slt, %add3A, %lt3A : i32
    %convert_element_type3A = arith.extui %lt3A_5 : i1 to i32
    %add3A_6 = arith.constant 78 : i32
    %add3A_7 = arith.addi %add3A_6, %convert_element_type3A : i32
    %lt3A_8 = arith.constant 1 : i32
    %lt3A_9 = arith.constant 78 : i32
    %lt3A_10 = arith.cmpi slt, %lt3A_8, %lt3A_9 : i32
    %mul3A_11 = arith.constant 1 : i32
    %mul3A_12 = arith.constant 128 : i32
    %mul3A_13 = arith.muli %mul3A_11, %mul3A_12 : i32
    %add3A_14 = arith.addi %mul3A_4, %mul3A_13 : i32
    %mul3A_15 = arith.constant 128 : i32
    %mul3A_16 = arith.muli %add3A, %mul3A_15 : i32
    %add3A_17 = arith.constant 319488 : i32
    %add3A_18 = arith.addi %add3A_17, %mul3A_16 : i32
    %select_n3A = arith.select %lt3A_10, %add3A_14, %add3A_18 : i32
    %multiple_of3A = tpu.assume_multiple %select_n3A, 128 : i32
    %dma_start3A = arith.constant 0 : i32
    %dma_start3A_19 = tpu.memref_slice %arg2[%dma_start3A, %multiple_of3A] : memref<2x320000xi32, #tpu.memory_space<hbm>> -> memref<1x128xi32, #tpu.memory_space<hbm>>
    %dma_start3A_20 = tpu.memref_squeeze %dma_start3A_19 : memref<1x128xi32, #tpu.memory_space<hbm>> -> memref<128xi32, #tpu.memory_space<hbm>>
    %dma_start3A_21 = tpu.memref_slice %arg2[%dma_start3A, %multiple_of3A] : memref<2x320000xi32, #tpu.memory_space<hbm>> -> memref<1x128xi32, #tpu.memory_space<hbm>>
    %dma_start3A_22 = tpu.memref_squeeze %dma_start3A_21 : memref<1x128xi32, #tpu.memory_space<hbm>> -> memref<128xi32, #tpu.memory_space<hbm>>
    tpu.enqueue_dma source(%dma_start3A_22 : memref<128xi32, #tpu.memory_space<hbm>>) target(%arg10 : memref<128xi32, #tpu.memory_space<vmem>>) target_semaphore(%arg13 : memref<!tpu.dma_semaphore, #tpu.memory_space<semaphore_mem>>)
    %dma_start3A_23 = arith.constant 0 : i32
    %dma_start3A_24 = tpu.memref_slice %arg3[%multiple_of3A, %dma_start3A_23] : memref<320000x128xf32, #tpu.memory_space<hbm>> -> memref<128x128xf32, #tpu.memory_space<hbm>>
    %dma_start3A_25 = arith.constant 0 : i32
    %dma_start3A_26 = tpu.memref_slice %arg3[%multiple_of3A, %dma_start3A_25] : memref<320000x128xf32, #tpu.memory_space<hbm>> -> memref<128x128xf32, #tpu.memory_space<hbm>>
    tpu.enqueue_dma source(%dma_start3A_26 : memref<128x128xf32, #tpu.memory_space<hbm>>) target(%arg7 : memref<128x128xf32, #tpu.memory_space<vmem>>) target_semaphore(%arg13 : memref<!tpu.dma_semaphore, #tpu.memory_space<semaphore_mem>>)
    %lt3A_27 = arith.constant 2 : i32
    %lt3A_28 = arith.constant 78 : i32
    %lt3A_29 = arith.cmpi slt, %lt3A_27, %lt3A_28 : i32
    %mul3A_30 = arith.constant 2 : i32
    %mul3A_31 = arith.constant 128 : i32
    %mul3A_32 = arith.muli %mul3A_30, %mul3A_31 : i32
    %add3A_33 = arith.addi %mul3A_4, %mul3A_32 : i32
    %mul3A_34 = arith.constant 128 : i32
    %mul3A_35 = arith.muli %add3A, %mul3A_34 : i32
    %add3A_36 = arith.constant 319488 : i32
    %add3A_37 = arith.addi %add3A_36, %mul3A_35 : i32
    %select_n3A_38 = arith.select %lt3A_29, %add3A_33, %add3A_37 : i32
    %multiple_of3A_39 = tpu.assume_multiple %select_n3A_38, 128 : i32
    %dma_start3A_40 = arith.constant 0 : i32
    %dma_start3A_41 = tpu.memref_slice %arg2[%dma_start3A_40, %multiple_of3A_39] : memref<2x320000xi32, #tpu.memory_space<hbm>> -> memref<1x128xi32, #tpu.memory_space<hbm>>
    %dma_start3A_42 = tpu.memref_squeeze %dma_start3A_41 : memref<1x128xi32, #tpu.memory_space<hbm>> -> memref<128xi32, #tpu.memory_space<hbm>>
    %dma_start3A_43 = tpu.memref_slice %arg2[%dma_start3A_40, %multiple_of3A_39] : memref<2x320000xi32, #tpu.memory_space<hbm>> -> memref<1x128xi32, #tpu.memory_space<hbm>>
    %dma_start3A_44 = tpu.memref_squeeze %dma_start3A_43 : memref<1x128xi32, #tpu.memory_space<hbm>> -> memref<128xi32, #tpu.memory_space<hbm>>
    tpu.enqueue_dma source(%dma_start3A_44 : memref<128xi32, #tpu.memory_space<hbm>>) target(%arg11 : memref<128xi32, #tpu.memory_space<vmem>>) target_semaphore(%arg14 : memref<!tpu.dma_semaphore, #tpu.memory_space<semaphore_mem>>)
    %dma_start3A_45 = arith.constant 0 : i32
    %dma_start3A_46 = tpu.memref_slice %arg3[%multiple_of3A_39, %dma_start3A_45] : memref<320000x128xf32, #tpu.memory_space<hbm>> -> memref<128x128xf32, #tpu.memory_space<hbm>>
    %dma_start3A_47 = arith.constant 0 : i32
    %dma_start3A_48 = tpu.memref_slice %arg3[%multiple_of3A_39, %dma_start3A_47] : memref<320000x128xf32, #tpu.memory_space<hbm>> -> memref<128x128xf32, #tpu.memory_space<hbm>>
    tpu.enqueue_dma source(%dma_start3A_48 : memref<128x128xf32, #tpu.memory_space<hbm>>) target(%arg8 : memref<128x128xf32, #tpu.memory_space<vmem>>) target_semaphore(%arg14 : memref<!tpu.dma_semaphore, #tpu.memory_space<semaphore_mem>>)
    %broadcast_in_dim3A = arith.constant 0.000000e+00 : f32
    %broadcast_in_dim3A_49 = vector.broadcast %broadcast_in_dim3A : f32 to vector<16xf32>
    %scan3A = arith.constant 0 : i32
    %scan3A_50 = arith.constant 0 : i32
    %scan3A_51 = arith.constant 128 : i32
    %scan3A_52 = arith.addi %scan3A_50, %scan3A_51 : i32
    %scan3A_53 = arith.constant 1 : i32
    scf.for %scan3A_156 = %scan3A_50 to %scan3A_52 step %scan3A_53  : i32 {
      %multiple_of3A_157 = arith.constant 0 : i32
      %multiple_of3A_158 = tpu.assume_multiple %multiple_of3A_157, 16 : i32
      %swap3A = arith.index_cast %scan3A_156 : i32 to index
      %swap3A_159 = arith.index_cast %multiple_of3A_158 : i32 to index
      %swap3A_160 = tpu.vector_load %arg6[%swap3A, %swap3A_159] {strides = array<i32>} : memref<128x128xf32, #tpu.memory_space<vmem>>, vector<1x16xf32>,
      %swap3A_161 = vector.shape_cast %swap3A_160 : vector<1x16xf32> to vector<16xf32>
      %swap3A_162 = vector.shape_cast %broadcast_in_dim3A_49 : vector<16xf32> to vector<1x16xf32>
      tpu.vector_store %arg6[%swap3A, %swap3A_159], %swap3A_162 {strides = array<i32>} : memref<128x128xf32, #tpu.memory_space<vmem>>, vector<1x16xf32>,
      %multiple_of3A_163 = arith.constant 16 : i32
      %multiple_of3A_164 = tpu.assume_multiple %multiple_of3A_163, 16 : i32
      %swap3A_165 = arith.index_cast %scan3A_156 : i32 to index
      %swap3A_166 = arith.index_cast %multiple_of3A_164 : i32 to index
      %swap3A_167 = tpu.vector_load %arg6[%swap3A_165, %swap3A_166] {strides = array<i32>} : memref<128x128xf32, #tpu.memory_space<vmem>>, vector<1x16xf32>,
      %swap3A_168 = vector.shape_cast %swap3A_167 : vector<1x16xf32> to vector<16xf32>
      %swap3A_169 = vector.shape_cast %broadcast_in_dim3A_49 : vector<16xf32> to vector<1x16xf32>
      tpu.vector_store %arg6[%swap3A_165, %swap3A_166], %swap3A_169 {strides = array<i32>} : memref<128x128xf32, #tpu.memory_space<vmem>>, vector<1x16xf32>,
      %multiple_of3A_170 = arith.constant 32 : i32
      %multiple_of3A_171 = tpu.assume_multiple %multiple_of3A_170, 16 : i32
      %swap3A_172 = arith.index_cast %scan3A_156 : i32 to index
      %swap3A_173 = arith.index_cast %multiple_of3A_171 : i32 to index
      %swap3A_174 = tpu.vector_load %arg6[%swap3A_172, %swap3A_173] {strides = array<i32>} : memref<128x128xf32, #tpu.memory_space<vmem>>, vector<1x16xf32>,
      %swap3A_175 = vector.shape_cast %swap3A_174 : vector<1x16xf32> to vector<16xf32>
      %swap3A_176 = vector.shape_cast %broadcast_in_dim3A_49 : vector<16xf32> to vector<1x16xf32>
      tpu.vector_store %arg6[%swap3A_172, %swap3A_173], %swap3A_176 {strides = array<i32>} : memref<128x128xf32, #tpu.memory_space<vmem>>, vector<1x16xf32>,
      %multiple_of3A_177 = arith.constant 48 : i32
      %multiple_of3A_178 = tpu.assume_multiple %multiple_of3A_177, 16 : i32
      %swap3A_179 = arith.index_cast %scan3A_156 : i32 to index
      %swap3A_180 = arith.index_cast %multiple_of3A_178 : i32 to index
      %swap3A_181 = tpu.vector_load %arg6[%swap3A_179, %swap3A_180] {strides = array<i32>} : memref<128x128xf32, #tpu.memory_space<vmem>>, vector<1x16xf32>,
      %swap3A_182 = vector.shape_cast %swap3A_181 : vector<1x16xf32> to vector<16xf32>
      %swap3A_183 = vector.shape_cast %broadcast_in_dim3A_49 : vector<16xf32> to vector<1x16xf32>
      tpu.vector_store %arg6[%swap3A_179, %swap3A_180], %swap3A_183 {strides = array<i32>} : memref<128x128xf32, #tpu.memory_space<vmem>>, vector<1x16xf32>,
      %multiple_of3A_184 = arith.constant 64 : i32
      %multiple_of3A_185 = tpu.assume_multiple %multiple_of3A_184, 16 : i32
      %swap3A_186 = arith.index_cast %scan3A_156 : i32 to index
      %swap3A_187 = arith.index_cast %multiple_of3A_185 : i32 to index
      %swap3A_188 = tpu.vector_load %arg6[%swap3A_186, %swap3A_187] {strides = array<i32>} : memref<128x128xf32, #tpu.memory_space<vmem>>, vector<1x16xf32>,
      %swap3A_189 = vector.shape_cast %swap3A_188 : vector<1x16xf32> to vector<16xf32>
      %swap3A_190 = vector.shape_cast %broadcast_in_dim3A_49 : vector<16xf32> to vector<1x16xf32>
      tpu.vector_store %arg6[%swap3A_186, %swap3A_187], %swap3A_190 {strides = array<i32>} : memref<128x128xf32, #tpu.memory_space<vmem>>, vector<1x16xf32>,
      %multiple_of3A_191 = arith.constant 80 : i32
      %multiple_of3A_192 = tpu.assume_multiple %multiple_of3A_191, 16 : i32
      %swap3A_193 = arith.index_cast %scan3A_156 : i32 to index
      %swap3A_194 = arith.index_cast %multiple_of3A_192 : i32 to index
      %swap3A_195 = tpu.vector_load %arg6[%swap3A_193, %swap3A_194] {strides = array<i32>} : memref<128x128xf32, #tpu.memory_space<vmem>>, vector<1x16xf32>,
      %swap3A_196 = vector.shape_cast %swap3A_195 : vector<1x16xf32> to vector<16xf32>
      %swap3A_197 = vector.shape_cast %broadcast_in_dim3A_49 : vector<16xf32> to vector<1x16xf32>
      tpu.vector_store %arg6[%swap3A_193, %swap3A_194], %swap3A_197 {strides = array<i32>} : memref<128x128xf32, #tpu.memory_space<vmem>>, vector<1x16xf32>,
      %multiple_of3A_198 = arith.constant 96 : i32
      %multiple_of3A_199 = tpu.assume_multiple %multiple_of3A_198, 16 : i32
      %swap3A_200 = arith.index_cast %scan3A_156 : i32 to index
      %swap3A_201 = arith.index_cast %multiple_of3A_199 : i32 to index
      %swap3A_202 = tpu.vector_load %arg6[%swap3A_200, %swap3A_201] {strides = array<i32>} : memref<128x128xf32, #tpu.memory_space<vmem>>, vector<1x16xf32>,
      %swap3A_203 = vector.shape_cast %swap3A_202 : vector<1x16xf32> to vector<16xf32>
      %swap3A_204 = vector.shape_cast %broadcast_in_dim3A_49 : vector<16xf32> to vector<1x16xf32>
      tpu.vector_store %arg6[%swap3A_200, %swap3A_201], %swap3A_204 {strides = array<i32>} : memref<128x128xf32, #tpu.memory_space<vmem>>, vector<1x16xf32>,
      %multiple_of3A_205 = arith.constant 112 : i32
      %multiple_of3A_206 = tpu.assume_multiple %multiple_of3A_205, 16 : i32
      %swap3A_207 = arith.index_cast %scan3A_156 : i32 to index
      %swap3A_208 = arith.index_cast %multiple_of3A_206 : i32 to index
      %swap3A_209 = tpu.vector_load %arg6[%swap3A_207, %swap3A_208] {strides = array<i32>} : memref<128x128xf32, #tpu.memory_space<vmem>>, vector<1x16xf32>,
      %swap3A_210 = vector.shape_cast %swap3A_209 : vector<1x16xf32> to vector<16xf32>
      %swap3A_211 = vector.shape_cast %broadcast_in_dim3A_49 : vector<16xf32> to vector<1x16xf32>
      tpu.vector_store %arg6[%swap3A_207, %swap3A_208], %swap3A_211 {strides = array<i32>} : memref<128x128xf32, #tpu.memory_space<vmem>>, vector<1x16xf32>,
    }
    %scan3A_54 = arith.constant 128 : i32
    %add3A_55 = arith.constant 0 : i32
    %add3A_56 = arith.addi %mul3A_2, %add3A_55 : i32
    %dma_start3A_57 = arith.constant 0 : i32
    %dma_start3A_58 = tpu.memref_slice %arg5[%add3A_56, %dma_start3A_57] : memref<10112x128xf32, #tpu.memory_space<vmem_shared>> -> memref<128x128xf32, #tpu.memory_space<vmem_shared>>
    %dma_start3A_59 = arith.constant 0 : i32
    %dma_start3A_60 = tpu.memref_slice %arg5[%add3A_56, %dma_start3A_59] : memref<10112x128xf32, #tpu.memory_space<vmem_shared>> -> memref<128x128xf32, #tpu.memory_space<vmem_shared>>
    tpu.enqueue_dma source(%arg6 : memref<128x128xf32, #tpu.memory_space<vmem>>) target(%dma_start3A_60 : memref<128x128xf32, #tpu.memory_space<vmem_shared>>) target_semaphore(%arg15 : memref<!tpu.dma_semaphore, #tpu.memory_space<semaphore_mem>>)
    %add3A_61 = arith.constant 128 : i32
    %add3A_62 = arith.addi %mul3A_2, %add3A_61 : i32
    %dma_start3A_63 = arith.constant 0 : i32
    %dma_start3A_64 = tpu.memref_slice %arg5[%add3A_62, %dma_start3A_63] : memref<10112x128xf32, #tpu.memory_space<vmem_shared>> -> memref<128x128xf32, #tpu.memory_space<vmem_shared>>
    %dma_start3A_65 = arith.constant 0 : i32
    %dma_start3A_66 = tpu.memref_slice %arg5[%add3A_62, %dma_start3A_65] : memref<10112x128xf32, #tpu.memory_space<vmem_shared>> -> memref<128x128xf32, #tpu.memory_space<vmem_shared>>
    tpu.enqueue_dma source(%arg6 : memref<128x128xf32, #tpu.memory_space<vmem>>) target(%dma_start3A_66 : memref<128x128xf32, #tpu.memory_space<vmem_shared>>) target_semaphore(%arg15 : memref<!tpu.dma_semaphore, #tpu.memory_space<semaphore_mem>>)
    %add3A_67 = arith.constant 256 : i32
    %add3A_68 = arith.addi %mul3A_2, %add3A_67 : i32
    %dma_start3A_69 = arith.constant 0 : i32
    %dma_start3A_70 = tpu.memref_slice %arg5[%add3A_68, %dma_start3A_69] : memref<10112x128xf32, #tpu.memory_space<vmem_shared>> -> memref<128x128xf32, #tpu.memory_space<vmem_shared>>
    %dma_start3A_71 = arith.constant 0 : i32
    %dma_start3A_72 = tpu.memref_slice %arg5[%add3A_68, %dma_start3A_71] : memref<10112x128xf32, #tpu.memory_space<vmem_shared>> -> memref<128x128xf32, #tpu.memory_space<vmem_shared>>
    tpu.enqueue_dma source(%arg6 : memref<128x128xf32, #tpu.memory_space<vmem>>) target(%dma_start3A_72 : memref<128x128xf32, #tpu.memory_space<vmem_shared>>) target_semaphore(%arg15 : memref<!tpu.dma_semaphore, #tpu.memory_space<semaphore_mem>>)
    %add3A_73 = arith.constant 384 : i32
    %add3A_74 = arith.addi %mul3A_2, %add3A_73 : i32
    %dma_start3A_75 = arith.constant 0 : i32
    %dma_start3A_76 = tpu.memref_slice %arg5[%add3A_74, %dma_start3A_75] : memref<10112x128xf32, #tpu.memory_space<vmem_shared>> -> memref<128x128xf32, #tpu.memory_space<vmem_shared>>
    %dma_start3A_77 = arith.constant 0 : i32
    %dma_start3A_78 = tpu.memref_slice %arg5[%add3A_74, %dma_start3A_77] : memref<10112x128xf32, #tpu.memory_space<vmem_shared>> -> memref<128x128xf32, #tpu.memory_space<vmem_shared>>
    tpu.enqueue_dma source(%arg6 : memref<128x128xf32, #tpu.memory_space<vmem>>) target(%dma_start3A_78 : memref<128x128xf32, #tpu.memory_space<vmem_shared>>) target_semaphore(%arg15 : memref<!tpu.dma_semaphore, #tpu.memory_space<semaphore_mem>>)
    %add3A_79 = arith.constant 512 : i32
    %add3A_80 = arith.addi %mul3A_2, %add3A_79 : i32
    %dma_start3A_81 = arith.constant 0 : i32
    %dma_start3A_82 = arith.constant 0 : i32
    %dma_start3A_83 = tpu.memref_slice %arg6[%dma_start3A_81, %dma_start3A_82] : memref<128x128xf32, #tpu.memory_space<vmem>> -> memref<120x128xf32, #tpu.memory_space<vmem>>
    %dma_start3A_84 = arith.constant 0 : i32
    %dma_start3A_85 = tpu.memref_slice %arg5[%add3A_80, %dma_start3A_84] : memref<10112x128xf32, #tpu.memory_space<vmem_shared>> -> memref<120x128xf32, #tpu.memory_space<vmem_shared>>
    %dma_start3A_86 = arith.constant 0 : i32
    %dma_start3A_87 = tpu.memref_slice %arg5[%add3A_80, %dma_start3A_86] : memref<10112x128xf32, #tpu.memory_space<vmem_shared>> -> memref<120x128xf32, #tpu.memory_space<vmem_shared>>
    %dma_start3A_88 = arith.constant 0 : i32
    %dma_start3A_89 = arith.constant 0 : i32
    %dma_start3A_90 = tpu.memref_slice %arg6[%dma_start3A_88, %dma_start3A_89] : memref<128x128xf32, #tpu.memory_space<vmem>> -> memref<120x128xf32, #tpu.memory_space<vmem>>
    tpu.enqueue_dma source(%dma_start3A_90 : memref<120x128xf32, #tpu.memory_space<vmem>>) target(%dma_start3A_87 : memref<120x128xf32, #tpu.memory_space<vmem_shared>>) target_semaphore(%arg15 : memref<!tpu.dma_semaphore, #tpu.memory_space<semaphore_mem>>)
    %add3A_91 = arith.constant 0 : i32
    %add3A_92 = arith.addi %mul3A_2, %add3A_91 : i32
    %dma_wait3A = arith.constant 0 : i32
    %dma_wait3A_93 = tpu.memref_slice %arg5[%add3A_92, %dma_wait3A] : memref<10112x128xf32, #tpu.memory_space<vmem_shared>> -> memref<128x128xf32, #tpu.memory_space<vmem_shared>>
    %dma_wait3A_94 = arith.constant 0 : i32
    %dma_wait3A_95 = tpu.memref_slice %arg5[%add3A_92, %dma_wait3A_94] : memref<10112x128xf32, #tpu.memory_space<vmem_shared>> -> memref<128x128xf32, #tpu.memory_space<vmem_shared>>
    tpu.wait_dma2 semaphore(%arg15 : memref<!tpu.dma_semaphore, #tpu.memory_space<semaphore_mem>>) src(%arg6 : memref<128x128xf32, #tpu.memory_space<vmem>>) dst(%dma_wait3A_95 : memref<128x128xf32, #tpu.memory_space<vmem_shared>>)
    %add3A_96 = arith.constant 128 : i32
    %add3A_97 = arith.addi %mul3A_2, %add3A_96 : i32
    %dma_wait3A_98 = arith.constant 0 : i32
    %dma_wait3A_99 = tpu.memref_slice %arg5[%add3A_97, %dma_wait3A_98] : memref<10112x128xf32, #tpu.memory_space<vmem_shared>> -> memref<128x128xf32, #tpu.memory_space<vmem_shared>>
    %dma_wait3A_100 = arith.constant 0 : i32
    %dma_wait3A_101 = tpu.memref_slice %arg5[%add3A_97, %dma_wait3A_100] : memref<10112x128xf32, #tpu.memory_space<vmem_shared>> -> memref<128x128xf32, #tpu.memory_space<vmem_shared>>
    tpu.wait_dma2 semaphore(%arg15 : memref<!tpu.dma_semaphore, #tpu.memory_space<semaphore_mem>>) src(%arg6 : memref<128x128xf32, #tpu.memory_space<vmem>>) dst(%dma_wait3A_101 : memref<128x128xf32, #tpu.memory_space<vmem_shared>>)
    %add3A_102 = arith.constant 256 : i32
    %add3A_103 = arith.addi %mul3A_2, %add3A_102 : i32
    %dma_wait3A_104 = arith.constant 0 : i32
    %dma_wait3A_105 = tpu.memref_slice %arg5[%add3A_103, %dma_wait3A_104] : memref<10112x128xf32, #tpu.memory_space<vmem_shared>> -> memref<128x128xf32, #tpu.memory_space<vmem_shared>>
    %dma_wait3A_106 = arith.constant 0 : i32
    %dma_wait3A_107 = tpu.memref_slice %arg5[%add3A_103, %dma_wait3A_106] : memref<10112x128xf32, #tpu.memory_space<vmem_shared>> -> memref<128x128xf32, #tpu.memory_space<vmem_shared>>
    tpu.wait_dma2 semaphore(%arg15 : memref<!tpu.dma_semaphore, #tpu.memory_space<semaphore_mem>>) src(%arg6 : memref<128x128xf32, #tpu.memory_space<vmem>>) dst(%dma_wait3A_107 : memref<128x128xf32, #tpu.memory_space<vmem_shared>>)
    %add3A_108 = arith.constant 384 : i32
    %add3A_109 = arith.addi %mul3A_2, %add3A_108 : i32
    %dma_wait3A_110 = arith.constant 0 : i32
    %dma_wait3A_111 = tpu.memref_slice %arg5[%add3A_109, %dma_wait3A_110] : memref<10112x128xf32, #tpu.memory_space<vmem_shared>> -> memref<128x128xf32, #tpu.memory_space<vmem_shared>>
    %dma_wait3A_112 = arith.constant 0 : i32
    %dma_wait3A_113 = tpu.memref_slice %arg5[%add3A_109, %dma_wait3A_112] : memref<10112x128xf32, #tpu.memory_space<vmem_shared>> -> memref<128x128xf32, #tpu.memory_space<vmem_shared>>
    tpu.wait_dma2 semaphore(%arg15 : memref<!tpu.dma_semaphore, #tpu.memory_space<semaphore_mem>>) src(%arg6 : memref<128x128xf32, #tpu.memory_space<vmem>>) dst(%dma_wait3A_113 : memref<128x128xf32, #tpu.memory_space<vmem_shared>>)
    %add3A_114 = arith.constant 512 : i32
    %add3A_115 = arith.addi %mul3A_2, %add3A_114 : i32
    %dma_wait3A_116 = arith.constant 0 : i32
    %dma_wait3A_117 = arith.constant 0 : i32
    %dma_wait3A_118 = tpu.memref_slice %arg6[%dma_wait3A_116, %dma_wait3A_117] : memref<128x128xf32, #tpu.memory_space<vmem>> -> memref<120x128xf32, #tpu.memory_space<vmem>>
    %dma_wait3A_119 = arith.constant 0 : i32
    %dma_wait3A_120 = tpu.memref_slice %arg5[%add3A_115, %dma_wait3A_119] : memref<10112x128xf32, #tpu.memory_space<vmem_shared>> -> memref<120x128xf32, #tpu.memory_space<vmem_shared>>
    %dma_wait3A_121 = arith.constant 0 : i32
    %dma_wait3A_122 = tpu.memref_slice %arg5[%add3A_115, %dma_wait3A_121] : memref<10112x128xf32, #tpu.memory_space<vmem_shared>> -> memref<120x128xf32, #tpu.memory_space<vmem_shared>>
    %dma_wait3A_123 = arith.constant 0 : i32
    %dma_wait3A_124 = arith.constant 0 : i32
    %dma_wait3A_125 = tpu.memref_slice %arg6[%dma_wait3A_123, %dma_wait3A_124] : memref<128x128xf32, #tpu.memory_space<vmem>> -> memref<120x128xf32, #tpu.memory_space<vmem>>
    tpu.wait_dma2 semaphore(%arg15 : memref<!tpu.dma_semaphore, #tpu.memory_space<semaphore_mem>>) src(%dma_wait3A_125 : memref<120x128xf32, #tpu.memory_space<vmem>>) dst(%dma_wait3A_122 : memref<120x128xf32, #tpu.memory_space<vmem_shared>>)
    %lt3A_126 = arith.constant 0 : i32
    %lt3A_127 = arith.constant 78 : i32
    %lt3A_128 = arith.cmpi slt, %lt3A_126, %lt3A_127 : i32
    %mul3A_129 = arith.constant 0 : i32
    %mul3A_130 = arith.constant 128 : i32
    %mul3A_131 = arith.muli %mul3A_129, %mul3A_130 : i32
    %add3A_132 = arith.addi %mul3A_4, %mul3A_131 : i32
    %mul3A_133 = arith.constant 128 : i32
    %mul3A_134 = arith.muli %add3A, %mul3A_133 : i32
    %add3A_135 = arith.constant 319488 : i32
    %add3A_136 = arith.addi %add3A_135, %mul3A_134 : i32
    %select_n3A_137 = arith.select %lt3A_128, %add3A_132, %add3A_136 : i32
    %multiple_of3A_138 = tpu.assume_multiple %select_n3A_137, 128 : i32
    %dma_start3A_139 = arith.constant 0 : i32
    %dma_start3A_140 = tpu.memref_slice %arg2[%dma_start3A_139, %multiple_of3A_138] : memref<2x320000xi32, #tpu.memory_space<hbm>> -> memref<1x128xi32, #tpu.memory_space<hbm>>
    %dma_start3A_141 = tpu.memref_squeeze %dma_start3A_140 : memref<1x128xi32, #tpu.memory_space<hbm>> -> memref<128xi32, #tpu.memory_space<hbm>>
    %dma_start3A_142 = tpu.memref_slice %arg2[%dma_start3A_139, %multiple_of3A_138] : memref<2x320000xi32, #tpu.memory_space<hbm>> -> memref<1x128xi32, #tpu.memory_space<hbm>>
    %dma_start3A_143 = tpu.memref_squeeze %dma_start3A_142 : memref<1x128xi32, #tpu.memory_space<hbm>> -> memref<128xi32, #tpu.memory_space<hbm>>
    tpu.enqueue_dma source(%dma_start3A_143 : memref<128xi32, #tpu.memory_space<hbm>>) target(%arg9 : memref<128xi32, #tpu.memory_space<vmem>>) target_semaphore(%arg12 : memref<!tpu.dma_semaphore, #tpu.memory_space<semaphore_mem>>)
    %dma_start3A_144 = arith.constant 0 : i32
    %dma_start3A_145 = tpu.memref_slice %arg3[%multiple_of3A_138, %dma_start3A_144] : memref<320000x128xf32, #tpu.memory_space<hbm>> -> memref<128x128xf32, #tpu.memory_space<hbm>>
    %dma_start3A_146 = arith.constant 0 : i32
    %dma_start3A_147 = tpu.memref_slice %arg3[%multiple_of3A_138, %dma_start3A_146] : memref<320000x128xf32, #tpu.memory_space<hbm>> -> memref<128x128xf32, #tpu.memory_space<hbm>>
    tpu.enqueue_dma source(%dma_start3A_147 : memref<128x128xf32, #tpu.memory_space<hbm>>) target(%arg6 : memref<128x128xf32, #tpu.memory_space<vmem>>) target_semaphore(%arg12 : memref<!tpu.dma_semaphore, #tpu.memory_space<semaphore_mem>>)
    %barrier3A = arith.constant 0 : index
    tpu.barrier barrier_id(%barrier3A)
    %scan3A_148 = arith.constant 0 : i32
    %scan3A_149 = arith.constant 0 : i32
    %scan3A_150 = arith.constant 0 : i32
    %scan3A_151 = arith.constant 27 : i32
    %scan3A_152 = arith.addi %scan3A_150, %scan3A_151 : i32
    %scan3A_153 = arith.constant 1 : i32
    scf.for %scan3A_156 = %scan3A_150 to %scan3A_152 step %scan3A_153  : i32 {
      %mul3A_157 = arith.constant 3 : i32
      %mul3A_158 = arith.muli %mul3A_157, %scan3A_156 : i32
      %add3A_159 = arith.constant 0 : i32
      %add3A_160 = arith.addi %mul3A_158, %add3A_159 : i32
      %lt3A_161 = arith.cmpi slt, %add3A_160, %add3A_7 : i32
      %convert_element_type3A_162 = arith.extui %lt3A_161 : i1 to i32
      %cond3A = arith.constant 0 : i32
      %cond3A_163 = arith.cmpi ne, %convert_element_type3A_162, %cond3A : i32
      scf.if %cond3A_163 {
        %dma_wait3A_180 = tpu.memref_slice %arg2[%scan3A_149, %mul3A_4] : memref<2x320000xi32, #tpu.memory_space<hbm>> -> memref<1x128xi32, #tpu.memory_space<hbm>>
        %dma_wait3A_181 = tpu.memref_squeeze %dma_wait3A_180 : memref<1x128xi32, #tpu.memory_space<hbm>> -> memref<128xi32, #tpu.memory_space<hbm>>
        %dma_wait3A_182 = tpu.memref_slice %arg2[%scan3A_149, %mul3A_4] : memref<2x320000xi32, #tpu.memory_space<hbm>> -> memref<1x128xi32, #tpu.memory_space<hbm>>
        %dma_wait3A_183 = tpu.memref_squeeze %dma_wait3A_182 : memref<1x128xi32, #tpu.memory_space<hbm>> -> memref<128xi32, #tpu.memory_space<hbm>>
        tpu.wait_dma2 semaphore(%arg12 : memref<!tpu.dma_semaphore, #tpu.memory_space<semaphore_mem>>) src(%dma_wait3A_183 : memref<128xi32, #tpu.memory_space<hbm>>) dst(%arg9 : memref<128xi32, #tpu.memory_space<vmem>>)
        %dma_wait3A_184 = arith.constant 0 : i32
        %dma_wait3A_185 = tpu.memref_slice %arg3[%mul3A_4, %dma_wait3A_184] : memref<320000x128xf32, #tpu.memory_space<hbm>> -> memref<128x128xf32, #tpu.memory_space<hbm>>
        %dma_wait3A_186 = arith.constant 0 : i32
        %dma_wait3A_187 = tpu.memref_slice %arg3[%mul3A_4, %dma_wait3A_186] : memref<320000x128xf32, #tpu.memory_space<hbm>> -> memref<128x128xf32, #tpu.memory_space<hbm>>
        tpu.wait_dma2 semaphore(%arg12 : memref<!tpu.dma_semaphore, #tpu.memory_space<semaphore_mem>>) src(%dma_wait3A_187 : memref<128x128xf32, #tpu.memory_space<hbm>>) dst(%arg6 : memref<128x128xf32, #tpu.memory_space<vmem>>)
        "tpu.region"() ({
          %run_scoped3A = tpu.sem_alloc : memref<!tpu.dma_semaphore, #tpu.memory_space<semaphore_mem>>
          %dma_start3A_194 = arith.constant 0 : i32
          %dma_start3A_195 = arith.constant 0 : i32
          %dma_start3A_196 = tpu.memref_slice %arg5[%dma_start3A_194, %dma_start3A_195] : memref<10112x128xf32, #tpu.memory_space<vmem_shared>> -> memref<10112x128xf32, #tpu.memory_space<vmem_shared>>
          tpu.enqueue_indirect_dma source(%arg6 : memref<128x128xf32, #tpu.memory_space<vmem>>) target(%dma_start3A_196 : memref<10112x128xf32, #tpu.memory_space<vmem_shared>>) offsets(%arg9 : memref<128xi32, #tpu.memory_space<vmem>>) semaphore(%run_scoped3A : memref<!tpu.dma_semaphore, #tpu.memory_space<semaphore_mem>>) {add = true}
          %dma_wait3A_197 = arith.constant 0 : i32
          %dma_wait3A_198 = arith.constant 0 : i32
          %dma_wait3A_199 = tpu.memref_slice %arg5[%dma_wait3A_197, %dma_wait3A_198] : memref<10112x128xf32, #tpu.memory_space<vmem_shared>> -> memref<10112x128xf32, #tpu.memory_space<vmem_shared>>
          tpu.wait_indirect_dma semaphore(%run_scoped3A : memref<!tpu.dma_semaphore, #tpu.memory_space<semaphore_mem>>) src(%arg6 : memref<128x128xf32, #tpu.memory_space<vmem>>) dst(%dma_wait3A_199 : memref<10112x128xf32, #tpu.memory_space<vmem_shared>>)
          tpu.yield
        }) : () -> ()
        %add3A_188 = arith.constant 3 : i32
        %add3A_189 = arith.addi %add3A_160, %add3A_188 : i32
        %lt3A_190 = arith.cmpi slt, %add3A_189, %add3A_7 : i32
        %convert_element_type3A_191 = arith.extui %lt3A_190 : i1 to i32
        %cond3A_192 = arith.constant 0 : i32
        %cond3A_193 = arith.cmpi ne, %convert_element_type3A_191, %cond3A_192 : i32
        scf.if %cond3A_193 {
          %add3A_194 = arith.constant 3 : i32
          %add3A_195 = arith.addi %add3A_160, %add3A_194 : i32
          %lt3A_196 = arith.constant 78 : i32
          %lt3A_197 = arith.cmpi slt, %add3A_195, %lt3A_196 : i32
          %mul3A_198 = arith.constant 128 : i32
          %mul3A_199 = arith.muli %add3A_195, %mul3A_198 : i32
          %add3A_200 = arith.addi %mul3A_4, %mul3A_199 : i32
          %mul3A_201 = arith.constant 128 : i32
          %mul3A_202 = arith.muli %add3A, %mul3A_201 : i32
          %add3A_203 = arith.constant 319488 : i32
          %add3A_204 = arith.addi %add3A_203, %mul3A_202 : i32
          %select_n3A_205 = arith.select %lt3A_197, %add3A_200, %add3A_204 : i32
          %multiple_of3A_206 = tpu.assume_multiple %select_n3A_205, 128 : i32
          %dma_start3A_207 = arith.constant 0 : i32
          %dma_start3A_208 = tpu.memref_slice %arg2[%dma_start3A_207, %multiple_of3A_206] : memref<2x320000xi32, #tpu.memory_space<hbm>> -> memref<1x128xi32, #tpu.memory_space<hbm>>
          %dma_start3A_209 = tpu.memref_squeeze %dma_start3A_208 : memref<1x128xi32, #tpu.memory_space<hbm>> -> memref<128xi32, #tpu.memory_space<hbm>>
          %dma_start3A_210 = tpu.memref_slice %arg2[%dma_start3A_207, %multiple_of3A_206] : memref<2x320000xi32, #tpu.memory_space<hbm>> -> memref<1x128xi32, #tpu.memory_space<hbm>>
          %dma_start3A_211 = tpu.memref_squeeze %dma_start3A_210 : memref<1x128xi32, #tpu.memory_space<hbm>> -> memref<128xi32, #tpu.memory_space<hbm>>
          tpu.enqueue_dma source(%dma_start3A_211 : memref<128xi32, #tpu.memory_space<hbm>>) target(%arg9 : memref<128xi32, #tpu.memory_space<vmem>>) target_semaphore(%arg12 : memref<!tpu.dma_semaphore, #tpu.memory_space<semaphore_mem>>)
          %dma_start3A_212 = arith.constant 0 : i32
          %dma_start3A_213 = tpu.memref_slice %arg3[%multiple_of3A_206, %dma_start3A_212] : memref<320000x128xf32, #tpu.memory_space<hbm>> -> memref<128x128xf32, #tpu.memory_space<hbm>>
          %dma_start3A_214 = arith.constant 0 : i32
          %dma_start3A_215 = tpu.memref_slice %arg3[%multiple_of3A_206, %dma_start3A_214] : memref<320000x128xf32, #tpu.memory_space<hbm>> -> memref<128x128xf32, #tpu.memory_space<hbm>>
          tpu.enqueue_dma source(%dma_start3A_215 : memref<128x128xf32, #tpu.memory_space<hbm>>) target(%arg6 : memref<128x128xf32, #tpu.memory_space<vmem>>) target_semaphore(%arg12 : memref<!tpu.dma_semaphore, #tpu.memory_space<semaphore_mem>>)
        } else {
        }
      } else {
      }
      %mul3A_164 = arith.constant 3 : i32
      %mul3A_165 = arith.muli %mul3A_164, %scan3A_156 : i32
      %add3A_166 = arith.constant 1 : i32
      %add3A_167 = arith.addi %mul3A_165, %add3A_166 : i32
      %lt3A_168 = arith.cmpi slt, %add3A_167, %add3A_7 : i32
      %convert_element_type3A_169 = arith.extui %lt3A_168 : i1 to i32
      %cond3A_170 = arith.constant 0 : i32
      %cond3A_171 = arith.cmpi ne, %convert_element_type3A_169, %cond3A_170 : i32
      scf.if %cond3A_171 {
        %dma_wait3A_180 = tpu.memref_slice %arg2[%scan3A_149, %mul3A_4] : memref<2x320000xi32, #tpu.memory_space<hbm>> -> memref<1x128xi32, #tpu.memory_space<hbm>>
        %dma_wait3A_181 = tpu.memref_squeeze %dma_wait3A_180 : memref<1x128xi32, #tpu.memory_space<hbm>> -> memref<128xi32, #tpu.memory_space<hbm>>
        %dma_wait3A_182 = tpu.memref_slice %arg2[%scan3A_149, %mul3A_4] : memref<2x320000xi32, #tpu.memory_space<hbm>> -> memref<1x128xi32, #tpu.memory_space<hbm>>
        %dma_wait3A_183 = tpu.memref_squeeze %dma_wait3A_182 : memref<1x128xi32, #tpu.memory_space<hbm>> -> memref<128xi32, #tpu.memory_space<hbm>>
        tpu.wait_dma2 semaphore(%arg13 : memref<!tpu.dma_semaphore, #tpu.memory_space<semaphore_mem>>) src(%dma_wait3A_183 : memref<128xi32, #tpu.memory_space<hbm>>) dst(%arg10 : memref<128xi32, #tpu.memory_space<vmem>>)
        %dma_wait3A_184 = arith.constant 0 : i32
        %dma_wait3A_185 = tpu.memref_slice %arg3[%mul3A_4, %dma_wait3A_184] : memref<320000x128xf32, #tpu.memory_space<hbm>> -> memref<128x128xf32, #tpu.memory_space<hbm>>
        %dma_wait3A_186 = arith.constant 0 : i32
        %dma_wait3A_187 = tpu.memref_slice %arg3[%mul3A_4, %dma_wait3A_186] : memref<320000x128xf32, #tpu.memory_space<hbm>> -> memref<128x128xf32, #tpu.memory_space<hbm>>
        tpu.wait_dma2 semaphore(%arg13 : memref<!tpu.dma_semaphore, #tpu.memory_space<semaphore_mem>>) src(%dma_wait3A_187 : memref<128x128xf32, #tpu.memory_space<hbm>>) dst(%arg7 : memref<128x128xf32, #tpu.memory_space<vmem>>)
        "tpu.region"() ({
          %run_scoped3A = tpu.sem_alloc : memref<!tpu.dma_semaphore, #tpu.memory_space<semaphore_mem>>
          %dma_start3A_194 = arith.constant 0 : i32
          %dma_start3A_195 = arith.constant 0 : i32
          %dma_start3A_196 = tpu.memref_slice %arg5[%dma_start3A_194, %dma_start3A_195] : memref<10112x128xf32, #tpu.memory_space<vmem_shared>> -> memref<10112x128xf32, #tpu.memory_space<vmem_shared>>
          tpu.enqueue_indirect_dma source(%arg7 : memref<128x128xf32, #tpu.memory_space<vmem>>) target(%dma_start3A_196 : memref<10112x128xf32, #tpu.memory_space<vmem_shared>>) offsets(%arg10 : memref<128xi32, #tpu.memory_space<vmem>>) semaphore(%run_scoped3A : memref<!tpu.dma_semaphore, #tpu.memory_space<semaphore_mem>>) {add = true}
          %dma_wait3A_197 = arith.constant 0 : i32
          %dma_wait3A_198 = arith.constant 0 : i32
          %dma_wait3A_199 = tpu.memref_slice %arg5[%dma_wait3A_197, %dma_wait3A_198] : memref<10112x128xf32, #tpu.memory_space<vmem_shared>> -> memref<10112x128xf32, #tpu.memory_space<vmem_shared>>
          tpu.wait_indirect_dma semaphore(%run_scoped3A : memref<!tpu.dma_semaphore, #tpu.memory_space<semaphore_mem>>) src(%arg7 : memref<128x128xf32, #tpu.memory_space<vmem>>) dst(%dma_wait3A_199 : memref<10112x128xf32, #tpu.memory_space<vmem_shared>>)
          tpu.yield
        }) : () -> ()
        %add3A_188 = arith.constant 3 : i32
        %add3A_189 = arith.addi %add3A_167, %add3A_188 : i32
        %lt3A_190 = arith.cmpi slt, %add3A_189, %add3A_7 : i32
        %convert_element_type3A_191 = arith.extui %lt3A_190 : i1 to i32
        %cond3A_192 = arith.constant 0 : i32
        %cond3A_193 = arith.cmpi ne, %convert_element_type3A_191, %cond3A_192 : i32
        scf.if %cond3A_193 {
          %add3A_194 = arith.constant 3 : i32
          %add3A_195 = arith.addi %add3A_167, %add3A_194 : i32
          %lt3A_196 = arith.constant 78 : i32
          %lt3A_197 = arith.cmpi slt, %add3A_195, %lt3A_196 : i32
          %mul3A_198 = arith.constant 128 : i32
          %mul3A_199 = arith.muli %add3A_195, %mul3A_198 : i32
          %add3A_200 = arith.addi %mul3A_4, %mul3A_199 : i32
          %mul3A_201 = arith.constant 128 : i32
          %mul3A_202 = arith.muli %add3A, %mul3A_201 : i32
          %add3A_203 = arith.constant 319488 : i32
          %add3A_204 = arith.addi %add3A_203, %mul3A_202 : i32
          %select_n3A_205 = arith.select %lt3A_197, %add3A_200, %add3A_204 : i32
          %multiple_of3A_206 = tpu.assume_multiple %select_n3A_205, 128 : i32
          %dma_start3A_207 = arith.constant 0 : i32
          %dma_start3A_208 = tpu.memref_slice %arg2[%dma_start3A_207, %multiple_of3A_206] : memref<2x320000xi32, #tpu.memory_space<hbm>> -> memref<1x128xi32, #tpu.memory_space<hbm>>
          %dma_start3A_209 = tpu.memref_squeeze %dma_start3A_208 : memref<1x128xi32, #tpu.memory_space<hbm>> -> memref<128xi32, #tpu.memory_space<hbm>>
          %dma_start3A_210 = tpu.memref_slice %arg2[%dma_start3A_207, %multiple_of3A_206] : memref<2x320000xi32, #tpu.memory_space<hbm>> -> memref<1x128xi32, #tpu.memory_space<hbm>>
          %dma_start3A_211 = tpu.memref_squeeze %dma_start3A_210 : memref<1x128xi32, #tpu.memory_space<hbm>> -> memref<128xi32, #tpu.memory_space<hbm>>
          tpu.enqueue_dma source(%dma_start3A_211 : memref<128xi32, #tpu.memory_space<hbm>>) target(%arg10 : memref<128xi32, #tpu.memory_space<vmem>>) target_semaphore(%arg13 : memref<!tpu.dma_semaphore, #tpu.memory_space<semaphore_mem>>)
          %dma_start3A_212 = arith.constant 0 : i32
          %dma_start3A_213 = tpu.memref_slice %arg3[%multiple_of3A_206, %dma_start3A_212] : memref<320000x128xf32, #tpu.memory_space<hbm>> -> memref<128x128xf32, #tpu.memory_space<hbm>>
          %dma_start3A_214 = arith.constant 0 : i32
          %dma_start3A_215 = tpu.memref_slice %arg3[%multiple_of3A_206, %dma_start3A_214] : memref<320000x128xf32, #tpu.memory_space<hbm>> -> memref<128x128xf32, #tpu.memory_space<hbm>>
          tpu.enqueue_dma source(%dma_start3A_215 : memref<128x128xf32, #tpu.memory_space<hbm>>) target(%arg7 : memref<128x128xf32, #tpu.memory_space<vmem>>) target_semaphore(%arg13 : memref<!tpu.dma_semaphore, #tpu.memory_space<semaphore_mem>>)
        } else {
        }
      } else {
      }
      %mul3A_172 = arith.constant 3 : i32
      %mul3A_173 = arith.muli %mul3A_172, %scan3A_156 : i32
      %add3A_174 = arith.constant 2 : i32
      %add3A_175 = arith.addi %mul3A_173, %add3A_174 : i32
      %lt3A_176 = arith.cmpi slt, %add3A_175, %add3A_7 : i32
      %convert_element_type3A_177 = arith.extui %lt3A_176 : i1 to i32
      %cond3A_178 = arith.constant 0 : i32
      %cond3A_179 = arith.cmpi ne, %convert_element_type3A_177, %cond3A_178 : i32
      scf.if %cond3A_179 {
        %dma_wait3A_180 = tpu.memref_slice %arg2[%scan3A_149, %mul3A_4] : memref<2x320000xi32, #tpu.memory_space<hbm>> -> memref<1x128xi32, #tpu.memory_space<hbm>>
        %dma_wait3A_181 = tpu.memref_squeeze %dma_wait3A_180 : memref<1x128xi32, #tpu.memory_space<hbm>> -> memref<128xi32, #tpu.memory_space<hbm>>
        %dma_wait3A_182 = tpu.memref_slice %arg2[%scan3A_149, %mul3A_4] : memref<2x320000xi32, #tpu.memory_space<hbm>> -> memref<1x128xi32, #tpu.memory_space<hbm>>
        %dma_wait3A_183 = tpu.memref_squeeze %dma_wait3A_182 : memref<1x128xi32, #tpu.memory_space<hbm>> -> memref<128xi32, #tpu.memory_space<hbm>>
        tpu.wait_dma2 semaphore(%arg14 : memref<!tpu.dma_semaphore, #tpu.memory_space<semaphore_mem>>) src(%dma_wait3A_183 : memref<128xi32, #tpu.memory_space<hbm>>) dst(%arg11 : memref<128xi32, #tpu.memory_space<vmem>>)
        %dma_wait3A_184 = arith.constant 0 : i32
        %dma_wait3A_185 = tpu.memref_slice %arg3[%mul3A_4, %dma_wait3A_184] : memref<320000x128xf32, #tpu.memory_space<hbm>> -> memref<128x128xf32, #tpu.memory_space<hbm>>
        %dma_wait3A_186 = arith.constant 0 : i32
        %dma_wait3A_187 = tpu.memref_slice %arg3[%mul3A_4, %dma_wait3A_186] : memref<320000x128xf32, #tpu.memory_space<hbm>> -> memref<128x128xf32, #tpu.memory_space<hbm>>
        tpu.wait_dma2 semaphore(%arg14 : memref<!tpu.dma_semaphore, #tpu.memory_space<semaphore_mem>>) src(%dma_wait3A_187 : memref<128x128xf32, #tpu.memory_space<hbm>>) dst(%arg8 : memref<128x128xf32, #tpu.memory_space<vmem>>)
        "tpu.region"() ({
          %run_scoped3A = tpu.sem_alloc : memref<!tpu.dma_semaphore, #tpu.memory_space<semaphore_mem>>
          %dma_start3A_194 = arith.constant 0 : i32
          %dma_start3A_195 = arith.constant 0 : i32
          %dma_start3A_196 = tpu.memref_slice %arg5[%dma_start3A_194, %dma_start3A_195] : memref<10112x128xf32, #tpu.memory_space<vmem_shared>> -> memref<10112x128xf32, #tpu.memory_space<vmem_shared>>
          tpu.enqueue_indirect_dma source(%arg8 : memref<128x128xf32, #tpu.memory_space<vmem>>) target(%dma_start3A_196 : memref<10112x128xf32, #tpu.memory_space<vmem_shared>>) offsets(%arg11 : memref<128xi32, #tpu.memory_space<vmem>>) semaphore(%run_scoped3A : memref<!tpu.dma_semaphore, #tpu.memory_space<semaphore_mem>>) {add = true}
          %dma_wait3A_197 = arith.constant 0 : i32
          %dma_wait3A_198 = arith.constant 0 : i32
          %dma_wait3A_199 = tpu.memref_slice %arg5[%dma_wait3A_197, %dma_wait3A_198] : memref<10112x128xf32, #tpu.memory_space<vmem_shared>> -> memref<10112x128xf32, #tpu.memory_space<vmem_shared>>
          tpu.wait_indirect_dma semaphore(%run_scoped3A : memref<!tpu.dma_semaphore, #tpu.memory_space<semaphore_mem>>) src(%arg8 : memref<128x128xf32, #tpu.memory_space<vmem>>) dst(%dma_wait3A_199 : memref<10112x128xf32, #tpu.memory_space<vmem_shared>>)
          tpu.yield
        }) : () -> ()
        %add3A_188 = arith.constant 3 : i32
        %add3A_189 = arith.addi %add3A_175, %add3A_188 : i32
        %lt3A_190 = arith.cmpi slt, %add3A_189, %add3A_7 : i32
        %convert_element_type3A_191 = arith.extui %lt3A_190 : i1 to i32
        %cond3A_192 = arith.constant 0 : i32
        %cond3A_193 = arith.cmpi ne, %convert_element_type3A_191, %cond3A_192 : i32
        scf.if %cond3A_193 {
          %add3A_194 = arith.constant 3 : i32
          %add3A_195 = arith.addi %add3A_175, %add3A_194 : i32
          %lt3A_196 = arith.constant 78 : i32
          %lt3A_197 = arith.cmpi slt, %add3A_195, %lt3A_196 : i32
          %mul3A_198 = arith.constant 128 : i32
          %mul3A_199 = arith.muli %add3A_195, %mul3A_198 : i32
          %add3A_200 = arith.addi %mul3A_4, %mul3A_199 : i32
          %mul3A_201 = arith.constant 128 : i32
          %mul3A_202 = arith.muli %add3A, %mul3A_201 : i32
          %add3A_203 = arith.constant 319488 : i32
          %add3A_204 = arith.addi %add3A_203, %mul3A_202 : i32
          %select_n3A_205 = arith.select %lt3A_197, %add3A_200, %add3A_204 : i32
          %multiple_of3A_206 = tpu.assume_multiple %select_n3A_205, 128 : i32
          %dma_start3A_207 = arith.constant 0 : i32
          %dma_start3A_208 = tpu.memref_slice %arg2[%dma_start3A_207, %multiple_of3A_206] : memref<2x320000xi32, #tpu.memory_space<hbm>> -> memref<1x128xi32, #tpu.memory_space<hbm>>
          %dma_start3A_209 = tpu.memref_squeeze %dma_start3A_208 : memref<1x128xi32, #tpu.memory_space<hbm>> -> memref<128xi32, #tpu.memory_space<hbm>>
          %dma_start3A_210 = tpu.memref_slice %arg2[%dma_start3A_207, %multiple_of3A_206] : memref<2x320000xi32, #tpu.memory_space<hbm>> -> memref<1x128xi32, #tpu.memory_space<hbm>>
          %dma_start3A_211 = tpu.memref_squeeze %dma_start3A_210 : memref<1x128xi32, #tpu.memory_space<hbm>> -> memref<128xi32, #tpu.memory_space<hbm>>
          tpu.enqueue_dma source(%dma_start3A_211 : memref<128xi32, #tpu.memory_space<hbm>>) target(%arg11 : memref<128xi32, #tpu.memory_space<vmem>>) target_semaphore(%arg14 : memref<!tpu.dma_semaphore, #tpu.memory_space<semaphore_mem>>)
          %dma_start3A_212 = arith.constant 0 : i32
          %dma_start3A_213 = tpu.memref_slice %arg3[%multiple_of3A_206, %dma_start3A_212] : memref<320000x128xf32, #tpu.memory_space<hbm>> -> memref<128x128xf32, #tpu.memory_space<hbm>>
          %dma_start3A_214 = arith.constant 0 : i32
          %dma_start3A_215 = tpu.memref_slice %arg3[%multiple_of3A_206, %dma_start3A_214] : memref<320000x128xf32, #tpu.memory_space<hbm>> -> memref<128x128xf32, #tpu.memory_space<hbm>>
          tpu.enqueue_dma source(%dma_start3A_215 : memref<128x128xf32, #tpu.memory_space<hbm>>) target(%arg8 : memref<128x128xf32, #tpu.memory_space<vmem>>) target_semaphore(%arg14 : memref<!tpu.dma_semaphore, #tpu.memory_space<semaphore_mem>>)
        } else {
        }
      } else {
      }
    }
    %scan3A_154 = arith.constant 27 : i32
    %barrier3A_155 = arith.constant 0 : index
    tpu.barrier barrier_id(%barrier3A_155)
    "tpu.region"() ({
      %run_scoped3A = tpu.sem_alloc : memref<!tpu.dma_semaphore, #tpu.memory_space<semaphore_mem>>
      %dma_start3A_156 = arith.constant 0 : i32
      %dma_start3A_157 = tpu.memref_slice %arg4[%arg0, %mul3A_2, %dma_start3A_156] : memref<2x10112x128xf32, #tpu.memory_space<hbm>> -> memref<1x632x128xf32, #tpu.memory_space<hbm>>
      %dma_start3A_158 = tpu.memref_squeeze %dma_start3A_157 : memref<1x632x128xf32, #tpu.memory_space<hbm>> -> memref<632x128xf32, #tpu.memory_space<hbm>>
      %dma_start3A_159 = arith.constant 0 : i32
      %dma_start3A_160 = tpu.memref_slice %arg5[%mul3A_2, %dma_start3A_159] : memref<10112x128xf32, #tpu.memory_space<vmem_shared>> -> memref<632x128xf32, #tpu.memory_space<vmem_shared>>
      tpu.enqueue_dma source(%dma_start3A_160 : memref<632x128xf32, #tpu.memory_space<vmem_shared>>) target(%dma_start3A_158 : memref<632x128xf32, #tpu.memory_space<hbm>>) target_semaphore(%run_scoped3A : memref<!tpu.dma_semaphore, #tpu.memory_space<semaphore_mem>>)
      %dma_wait3A_161 = arith.constant 0 : i32
      %dma_wait3A_162 = tpu.memref_slice %arg4[%arg0, %mul3A_2, %dma_wait3A_161] : memref<2x10112x128xf32, #tpu.memory_space<hbm>> -> memref<1x632x128xf32, #tpu.memory_space<hbm>>
      %dma_wait3A_163 = tpu.memref_squeeze %dma_wait3A_162 : memref<1x632x128xf32, #tpu.memory_space<hbm>> -> memref<632x128xf32, #tpu.memory_space<hbm>>
      %dma_wait3A_164 = arith.constant 0 : i32
      %dma_wait3A_165 = tpu.memref_slice %arg5[%mul3A_2, %dma_wait3A_164] : memref<10112x128xf32, #tpu.memory_space<vmem_shared>> -> memref<632x128xf32, #tpu.memory_space<vmem_shared>>
      tpu.wait_dma2 semaphore(%run_scoped3A : memref<!tpu.dma_semaphore, #tpu.memory_space<semaphore_mem>>) src(%dma_wait3A_165 : memref<632x128xf32, #tpu.memory_space<vmem_shared>>) dst(%dma_wait3A_163 : memref<632x128xf32, #tpu.memory_space<hbm>>)
      tpu.yield
    }) : () -> ()
    return
  }
}

module attributes {stable_mosaic.version = 14 : i64} {
  func.func @body(%arg0: i32, %arg1: memref<2x2000x128xf32, #tpu.memory_space<vmem>>, %arg2: memref<2000x128xf32, #tpu.memory_space<vmem>>) attributes {dimension_semantics = [#tpu.dimension_semantics<arbitrary>], iteration_bounds = array<i64: 5>, scalar_prefetch = 0 : i64, scratch_operands = 0 : i64, tpu.core_type = #tpu.core_type<tc>, window_params = [{transform_indices = @transform_0, window_bounds = array<i64: 2, 2000, 128>}, {transform_indices = @transform_1, window_bounds = array<i64: 2000, 128>}]} {
    %get3A = arith.constant 0 : index
    %get3A_0 = arith.constant 0 : index
    %get3A_1 = arith.constant 0 : index
    %get3A_2 = vector.load %arg1[%get3A, %get3A_0, %get3A_1] : memref<2x2000x128xf32, #tpu.memory_space<vmem>>, vector<1x2000x128xf32>
    %get3A_3 = vector.shape_cast %get3A_2 : vector<1x2000x128xf32> to vector<2000x128xf32>
    %get3A_4 = arith.constant 1 : index
    %get3A_5 = arith.constant 0 : index
    %get3A_6 = arith.constant 0 : index
    %get3A_7 = vector.load %arg1[%get3A_4, %get3A_5, %get3A_6] : memref<2x2000x128xf32, #tpu.memory_space<vmem>>, vector<1x2000x128xf32>
    %get3A_8 = vector.shape_cast %get3A_7 : vector<1x2000x128xf32> to vector<2000x128xf32>
    %add3A = arith.addf %get3A_3, %get3A_8 : vector<2000x128xf32>
    %swap3A = arith.constant 0 : index
    %swap3A_9 = arith.constant 0 : index
    %swap3A_10 = vector.load %arg2[%swap3A, %swap3A_9] : memref<2000x128xf32, #tpu.memory_space<vmem>>, vector<2000x128xf32>
    tpu.vector_store %arg2[%swap3A, %swap3A_9], %add3A {strides = array<i32>} : memref<2000x128xf32, #tpu.memory_space<vmem>>, vector<2000x128xf32>,
    return
  }
  func.func @transform_0(%arg0: i32) -> (i32, i32, i32) {
    %c0_i32 = arith.constant 0 : i32
    %c0_i32_0 = arith.constant 0 : i32
    %c0_i32_1 = arith.constant 0 : i32
    return %c0_i32, %arg0, %c0_i32_0 : i32, i32, i32
  }
  func.func @transform_1(%arg0: i32) -> (i32, i32) {
    %c0_i32 = arith.constant 0 : i32
    %c0_i32_0 = arith.constant 0 : i32
    return %arg0, %c0_i32 : i32, i32
  }
}

</mosaic_0001>

<sc_bundles>
// kernel: kernel.4.cloned.1.call-start
scs
__scs_entry_jumppad:
0x0: {  	(pc) =	sbr.rel $0x88, $3  }
0x1: {  	(tag) =	ssettag $0x0;
	lr =	simm.s32 $0x1  }
0x2: {  	[smem:$0x3F9F] =	sst lr;
	_ =	strace $0xD0000000  }
0x3: {  	_ = 	snop  }
0x4: {  	_ = 	snop  }
0x5: {  	_ = 	snop  }
0x6: {  	_ = 	snop  }
0x7: {  	_ = 	snop  }
__scs_overlays_trampoline_lowered:
0x8: {  	[smem:$0x3FAE] =	sst s0  }
0x9: {  	[smem:$0x3FAF] =	sst s1  }
0xa: {  	[smem:$0x3FB0] =	sst s2  }
0xb: {  	[smem:$0x3FB1] =	sst s3  }
0xc: {  	[smem:$0x3FB2] =	sst s4  }
0xd: {  	[smem:$0x3FB3] =	sst s5  }
0xe: {  	[smem:$0x3FB4] =	sst s6  }
0xf: {  	[smem:$0x3FB5] =	sst s7  }
0x10: {  	[smem:$0x3FB6] =	sst s8  }
0x11: {  	[smem:$0x3FB7] =	sst s9;
	s0 =	simm.s32 @!p0 $0x0  }
0x12: {  	s1 =	sld [smem:$0x3F9D];
	s0 =	simm.s32 @p0 $0x1  }
0x13: {  	[smem:$0x3FB8] =	sst s0;
	s0 =	simm.s32 @!p1 $0x0  }
0x14: {  	s2 =	sld [smem:$0x3F9C];
	s0 =	simm.s32 @p1 $0x1  }
0x15: {  	[smem:$0x3FB9] =	sst s0;
	s0 =	simm.s32 @!p2 $0x0  }
0x16: {  	s3 =	sld [smem:$0x3FDB];
	s0 =	simm.s32 @p2 $0x1  }
0x17: {  	s4 =	simm.s32 $0x1BF5;
	[smem:$0x3FBB] =	sst s0  }
0x18: {  	s0 =	sld [smem:$0x3F9E];
	_ =	swait.ge [sflag:s4], $0x0  }
0x19: {  	s7 =	sld [smem:$0x3F9F]  }
0x1a: {  	s8 =	sadd.s32 $0xFFFFE003, lr  }
0x1b: {  	s9 =	sadd.s32 $0xFFFFFEF7, lr;
	s5 =	simm.s32 $0xFFFFFFFF;
	p2 =	slt.u32 s8, $0xFFFFF086  }
0x1c: {  	p1 =	slt.u32 s9, $0xF7A;
	s5 =	simm.s32 @!p2 $0x0  }
0x1d: {  	s5 =	simm.s32 @p1 $0x1;
	p0 =	seq.s32 s7, s2  }
0x1e: {  	s7 =	smul.u32 @!p0 $0xF7A, s2;
	p2 =	seq.s32 @!p0 s5, $0x0  }
0x1f: {  	s9 =	smul.u32 $0xF7A, s1;
	s8 =	simm.s32 @!p0 $0x1BF5;
	p2 =	por !p2, p0  }
0x20: {  	[sflag:s8] =	ssyncset.s32 @!p0 $0xFFFFF086;
	s6 =	sadd.s32 @!p0 s3, s7;
	s7 =	simm.s32 @!p0 $0x108  }
0x21: {  	s3 =	sadd.s32 s3, s9;
	s6 =	sadd.s32 @!p0 $0x88, s6;
	s7 =	simm.s32 @p2 $0x1082  }
0x22: {  	[simem:s7], [sflag:s8] =	dma.local @!p0 [hbm:s6], $0xF7A  }
0x23: {  	s9 =	sor.u32 $0xD0000000, s2;
	s6 =	simm.s32 $0x108;
	_ =	swait.ge @!p0 [sflag:s8], $0x0  }
0x24: {  	s3 =	sadd.s32 $0x88, s3;
	s6 =	simm.s32 @!p1 $0x1082;
	[sflag:s4] =	ssyncset.s32 $0xFFFFF086  }
0x25: {  	[simem:s6], [sflag:s4] =	dma.local [hbm:s3], $0xF7A  }
0x26: {  	[smem:$0x3F9F] =	sst s1;
	(tag) =	ssettag s2;
	_ =	strace s9  }
0x27: {  	s1 =	sld [smem:$0x3FAF]  }
0x28: {  	s2 =	sld [smem:$0x3FB0]  }
0x29: {  	s4 =	sld [smem:$0x3FB2]  }
0x2a: {  	p0 =	seq.s32 s5, $0x0;
	s5 =	sld [smem:$0x3FB3]  }
0x2b: {  	s6 =	sld [smem:$0x3FB4]  }
0x2c: {  	s7 =	sld [smem:$0x3FB5]  }
0x2d: {  	s3 =	simm.s32 $0x108;
	s8 =	sld [smem:$0x3FB6]  }
0x2e: {  	s3 =	simm.s32 @!p0 $0x1082;
	s9 =	sld [smem:$0x3FB7]  }
0x2f: {  	lr =	sadd.s32 s0, s3;
	s0 =	sld [smem:$0x3FAE]  }
0x30: {  	s3 =	sld [smem:$0x3FB1]  }
0x31: {  	[smem:$0x3FBA] =	sst s10  }
0x32: {  	s10 =	sld [smem:$0x3FB8];
	_ =	sdelay $0x3  }
0x33: {  	p0 =	seq.s32 s10, $0x1;
	s10 =	sld [smem:$0x3FBA];
	_ =	sdelay $0x3  }
0x34: {  	[smem:$0x3FBA] =	sst s10  }
0x35: {  	s10 =	sld [smem:$0x3FB9];
	_ =	sdelay $0x3  }
0x36: {  	p1 =	seq.s32 s10, $0x1;
	s10 =	sld [smem:$0x3FBA];
	_ =	sdelay $0x3  }
0x37: {  	[smem:$0x3FBA] =	sst s10  }
0x38: {  	s10 =	sld [smem:$0x3FBB]  }
0x39: {  	_ = 	snop;
	(pc) =	sbr.ind lr, $3  }
0x3a: {  	_ = 	snop  }
0x3b: {  	_ = 	snop  }
0x3c: {  	p2 =	seq.s32 s10, $0x1;
	s10 =	sld [smem:$0x3FBA]  }
0x3d: {  	_ =	shalt  }
0x3e: {  	_ =	shalt  }
0x3f: {  	_ =	shalt  }
0x40: {  	_ =	shalt  }
0x41: {  	_ =	shalt  }
0x42: {  	_ =	shalt  }
0x43: {  	_ =	shalt  }
0x44: {  	_ =	shalt  }
0x45: {  	_ =	shalt  }
0x46: {  	_ =	shalt  }
0x47: {  	_ =	shalt  }
0x48: {  	_ =	shalt  }
0x49: {  	_ =	shalt  }
0x4a: {  	_ =	shalt  }
0x4b: {  	_ =	shalt  }
0x4c: {  	_ =	shalt  }
0x4d: {  	_ =	shalt  }
0x4e: {  	_ =	shalt  }
0x4f: {  	_ =	shalt  }
0x50: {  	_ =	shalt  }
0x51: {  	_ =	shalt  }
0x52: {  	_ =	shalt  }
0x53: {  	_ =	shalt  }
0x54: {  	_ =	shalt  }
0x55: {  	_ =	shalt  }
0x56: {  	_ =	shalt  }
0x57: {  	_ =	shalt  }
0x58: {  	_ =	shalt  }
0x59: {  	_ =	shalt  }
0x5a: {  	_ =	shalt  }
0x5b: {  	_ =	shalt  }
0x5c: {  	_ =	shalt  }
0x5d: {  	_ =	shalt  }
0x5e: {  	_ =	shalt  }
0x5f: {  	_ =	shalt  }
0x60: {  	_ =	shalt  }
0x61: {  	_ =	shalt  }
0x62: {  	_ =	shalt  }
0x63: {  	_ =	shalt  }
0x64: {  	_ =	shalt  }
0x65: {  	_ =	shalt  }
0x66: {  	_ =	shalt  }
0x67: {  	_ =	shalt  }
0x68: {  	_ =	shalt  }
0x69: {  	_ =	shalt  }
0x6a: {  	_ =	shalt  }
0x6b: {  	_ =	shalt  }
0x6c: {  	_ =	shalt  }
0x6d: {  	_ =	shalt  }
0x6e: {  	_ =	shalt  }
0x6f: {  	_ =	shalt  }
0x70: {  	_ =	shalt  }
0x71: {  	_ =	shalt  }
0x72: {  	_ =	shalt  }
0x73: {  	_ =	shalt  }
0x74: {  	_ =	shalt  }
0x75: {  	_ =	shalt  }
0x76: {  	_ =	shalt  }
0x77: {  	_ =	shalt  }
0x78: {  	_ =	shalt  }
0x79: {  	_ =	shalt  }
0x7a: {  	_ =	shalt  }
0x7b: {  	_ =	shalt  }
0x7c: {  	_ =	shalt  }
0x7d: {  	_ =	shalt  }
0x7e: {  	_ =	shalt  }
0x7f: {  	_ =	shalt  }
0x80: {  	_ =	shalt  }
0x81: {  	_ =	shalt  }
0x82: {  	_ =	shalt  }
0x83: {  	_ =	shalt  }
0x84: {  	_ =	shalt  }
0x85: {  	_ =	shalt  }
0x86: {  	_ =	shalt  }
0x87: {  	_ =	shalt  }
.Lfunc_end0:
.L_simem_size_0:
called_computation_lowered:
.L_overlay_start_0:
0x88: {  	s2 =	sld [smem:$0x3FD9]  }
0x89: {  	s3 =	sld [smem:$0x3FFE];
	_ =	sdelay $0x1  }
0x8a: {  	s1 =	srdreg.scid  }
0x8b: {  	s0 =	sand.u32 $0x1, s1  }
0x8c: {  	s17 =	sshll.u32 s0, $0xA;
	s2 =	sadd.s32 s3, s2  }
0x8d: {  	s2 =	sadd.s32 s2, s17  }
0x8e: {  	[smem:$0x3FC6] =	sst s2  }
0x8f: {  	_ = 	snop  }
0x90: {  	s2 =	sld [smem:$0x3FC9]  }
0x91: {  	s18 =	sld [smem:$0x3FC8];
	(tm) =	ssettm $0x1  }
0x92: {  	s4 =	sld [smem:$0x3FFB];
	_ =	sdelay $0x3  }
0x93: {  	_ =	strace s4  }
0x94: {  	s4 =	sld [smem:$0x3FFC];
	_ =	sdelay $0x3  }
0x95: {  	_ =	strace s4  }
0x96: {  	s4 =	sld [smem:$0x3FFD];
	_ =	sdelay $0x3  }
0x97: {  	_ =	strace s4  }
0x98: {  	_ =	strace $0x8FFFFFFF  }
0x99: {  	s19 =	sld [smem:$0x3FDB];
	_ =	sdelay $0x1  }
0x9a: {  	s5 =	simm.s32 $_scs_section_size  }
0x9b: {  	s6 =	simm.s32 $_size__tile_overlayer_lowered;
	s7 =	simm.s32 $_tile_overlayer_lowered  }
0x9c: {  	s22 =	simm.s32 $0x1BFF;
	s21 =	sshll.u32 s7, $0x1;
	s4 =	sadd.s32 s5, s19  }
0x9d: {  	s8 =	simm.s32 $0x0;
	s20 =	sshll.u32 s6, $0x1;
	s6 =	sadd.s32 s21, s4  }
0x9e: {  	[timem:s8], [sflag:s22] =	dma.local [hbm:s6], s20  }
0x9f: {  	_ =	swait.ge [sflag:s22], s20  }
0xa0: {  	s5 =	ssub.s32 $0x0, s20;
	[sflag:s22] =	ssyncset.done $0x0  }
0xa1: {  	[sflag:s22] =	ssyncadd.s32 s5;
	_ =	sdelay $0x1  }
0xa2: {  	s23 =	simm.s32 $0x1B8B  }
0xa3: {  	_ =	swait.ge [sflag:s23], $0x1  }
0xa4: {  	[sflag:s23] =	ssyncset.done $0x0  }
0xa5: {  	s25 =	simm.s32 $0x1B8E;
	s24 =	sld [smem:$0x3FFE];
	[sflag:s23] =	ssyncadd.s32 $0xFFFFFFFF  }
0xa6: {  	s26 =	simm.s32 $execute0_lowered;
	[smem:$0x3FD2] =	sst s25  }
0xa7: {  	s6 =	sshll.u32 s26, $0x1;
	_ =	strace $0x80000046;
	[dreg:$0x1] =	wrdreg $0xFFFFFFFF  }
0xa8: {  	s28 =	simm.s32 $_size_execute0_lowered;
	s4 =	sadd.s32 s4, s6;
	[dreg:$0x0] =	wrdreg $0x0  }
0xa9: {  	s6 =	sshll.u32 s28, $0x1;
	[dreg:$0x2] =	wrdreg s4  }
0xaa: {  	[dreg:$0x3] =	wrdreg s6  }
0xab: {  	[dreg:$0x4] =	wrdreg $0xC0  }
0xac: {  	_ =	task [dreg:s8], $0x5FFFF  }
0xad: {  	[dreg:$0x1] =	wrdreg $0xFFFFFFFF  }
0xae: {  	[dreg:$0x0] =	wrdreg $0x60  }
0xaf: {  	[dreg:$0x2] =	wrdreg s2  }
0xb0: {  	[dreg:$0x3] =	wrdreg s18  }
0xb1: {  	[dreg:$0x4] =	wrdreg s24  }
0xb2: {  	[dreg:$0x5] =	wrdreg $0x0  }
0xb3: {  	[dreg:$0x6] =	wrdreg $0x9  }
0xb4: {  	_ =	task.clear_ibuf [dreg:s8], $0x7FFFF;
	_ =	strace $0x90000046  }
0xb5: {  	s29 =	simm.s32 $0x9;
	_ =	strace $0x80000048  }
0xb6: {  	_ =	swait.ge [sflag:s29], $0x1  }
0xb7: {  	[sflag:s29] =	ssyncadd.s32 $0xFFFFFFFF  }
0xb8: {  	_ =	strace $0x90000048  }
0xb9: {  	_ =	sfence  }
0xba: {  	s30 =	sld [smem:$0x0];
	_ =	sdelay $0x2  }
0xbb: {  	s31 =	sshll.u32 s1, $0xD;
	s1 =	sshrl.u32 s1, $0x2  }
0xbc: {  	s3 =	sand.u32 $0x4000, s31;
	s1 =	sadd.s32 s1, s30  }
0xbd: {  	s0 =	sor.u32 s3, s0;
	s1 =	sshll.u32 s1, $0x11  }
0xbe: {  	s0 =	sor.u32 s1, s0  }
0xbf: {  	s0 =	sadd.s32 $0x8F2B, s0  }
0xc0: {  	[sflag:s0] =	ssyncadd.remote.s32 $0x1  }
0xc1: {  	_ =	sfence.sel $0xFFFF  }
0xc2: {  	[dreg:$0x0] =	wrdreg $0xFFFFFFFF;
	(pc) =	sbr.abs _section_cstart, $3  }
0xc3: {  	[dreg:$0x1] =	wrdreg $0xFFFFFFFF  }
0xc4: {  	_ =	task.clear_ibuf [dreg:s8], $0x2FFFF;
	_ =	strace $0x9FFFFFFF  }
0xc5: {  	(tm) =	ssettm $0x7FFFFFFF  }
tec
execute0_lowered:
.L_overlay_start_1:
0x0: {  	(tag) =	ssettag $0x1  }
0x1: {  	s0 =	rddreg [dreg:$0x0]  }
0x2: {  	s1 =	rddreg [dreg:$0x1]  }
0x3: {  	s2 =	rddreg [dreg:$0x2];
	s3 =	srdreg.scid  }
0x4: {  	s4 =	rddreg [dreg:$0x3];
	s13 =	stileid.u32  }
0x5: {  	s5 =	simm.s32 $0x0;
	s28 =	simm.s32 $0x4;
	s7 =	smul.u32 $0x13C00, s13  }
0x6: {  	s30 =	simm.s32 $0x5;
	s31 =	simm.s32 $0x0;
	s12 =	smul.u32 $0x4F000, s13  }
0x7: {  	s3 =	sand.u32 $0x1, s3;
	[smem:$0x7FF] =	sst s5;
	s25 =	smul.u32 $0x2700, s13  }
0x8: {  	s6 =	smul.u32 $0x13C000, s3;
	s8 =	sshll.u32 s3, $0x4;
	s14 =	ssub.s32 $0x2, s3  }
0x9: {  	_ =	strace $0x80000047;
	s3 =	smul.u32 $0x27000, s3;
	s8 =	sor.u32 s13, s8  }
0xa: {  	s9 =	sshrl.u32 s14, $0x1;
	s17 =	sshrl.u32 s12, $0x2;
	s10 =	smul.u32 $0x2700, s8  }
0xb: {  	s6 =	sadd.s32 s7, s6;
	s7 =	ssub.s32 s14, s9;
	s20 =	smul.u32 $0x9C0, s8  }
0xc: {  	p0 =	slt.u32 s8, $0x4;
	s22 =	smul.u32 $0x27000, s8;
	s8 =	sshll.u32 s8, $0x7  }
0xd: {  	s3 =	sadd.s32 s25, s3;
	s6 =	sshrl.u32 s6, $0x3;
	s15 =	sor.u32 $0x80, s10  }
0xe: {  	s10 =	sadd.s32 $0x100, s10;
	s11 =	sshrl.u32 s15, $0x2;
	s9 =	sshll.u32 s15, $0x4  }
0xf: {  	s16 =	sshrl.u32 s10, $0x2;
	s18 =	sshll.u32 s10, $0x4;
	s11 =	sadd.s32 s0, s11  }
0x10: {  	s10 =	sadd.s32 s17, s4;
	s9 =	sadd.s32 s1, s9;
	[dreg:$0x7] =	wrdreg s11  }
0x11: {  	s2 =	sadd.s32 s6, s2;
	s19 =	sadd.s32 $0x4000, s10;
	[dreg:$0x8] =	wrdreg s9  }
0x12: {  	s6 =	simm.s32 $0x4F;
	s21 =	sadd.s32 $0xC000, s10;
	[dreg:$0xb] =	wrdreg s19  }
0x13: {  	s6 =	simm.s32 @!p0 $0x4E;
	s23 =	sadd.s32 $0x10000, s10;
	[dreg:$0xd] =	wrdreg s21  }
0x14: {  	s29 =	sadd.s32 $0x280, s3;
	s24 =	sadd.s32 $0xFFFFFFFF, s6;
	[dreg:$0xe] =	wrdreg s23  }
0x15: {  	s17 =	sadd.s32 s1, s22;
	s26 =	sadd.s32 $0xFFFFFFFE, s6;
	[dreg:$0x5] =	wrdreg s24  }
0x16: {  	s15 =	sor.u32 $0x4E000, s8;
	s9 =	sadd.s32 s0, s16;
	[dreg:$0x6] =	wrdreg s26  }
0x17: {  	s11 =	sadd.s32 $0x8000, s10;
	s16 =	sadd.s32 s0, s20;
	[dreg:$0x9] =	wrdreg s9  }
0x18: {  	s19 =	sadd.s32 $0x600, s2;
	s9 =	sadd.s32 s1, s18;
	[dreg:$0xc] =	wrdreg s11  }
0x19: {  	v0 =	vimm.f32 $0.0e+00;
	s20 =	smax.u32 s7, $0x1;
	s26 =	simm.s32 $0x13C00;
	[dreg:$0xa] =	wrdreg s9  }
.LBB2_1:
0x1a: {  	s2 =	rddreg [dreg:$0x7]  }
0x1b: {  	s3 =	simm.s32 $0x1FC80;
	s18 =	rddreg [dreg:$0x8]  }
0x1c: {  	[tilespmem:s3], [sflag:$0x2] =	stream.linear.gather [hbm4b:s2+s5], $0x80, $0x38;
	[tilespmem:$0x1FD80] =	vst v63  }
0x1d: {  	s21 =	simm.s32 $0x17C00;
	s22 =	rddreg [dreg:$0x9]  }
0x1e: {  	[tilespmem:s21], [sflag:$0x2] =	stream.linear.gather [hbm4b:s18+s5], $0x4000, $0x38;
	[tilespmem:$0x1FD80] =	vst v63  }
0x1f: {  	s23 =	simm.s32 $0x1FD00;
	s24 =	rddreg [dreg:$0xa]  }
0x20: {  	[tilespmem:s23], [sflag:$0x3] =	stream.linear.gather [hbm4b:s22+s5], $0x80, $0x38;
	[tilespmem:$0x1FD80] =	vst v63  }
0x21: {  	s25 =	simm.s32 $0x1BC00;
	s2 =	simm.s32 $0x0;
	s3 =	simm.s32 $0x200  }
0x22: {  	[tilespmem:s25], [sflag:$0x3] =	stream.linear.gather [hbm4b:s24+s5], $0x4000, $0x38;
	[tilespmem:$0x1FD80] =	vst v63  }
.LBB2_2:
0x23: {  	p0 =	sne.s32 s3, $0xFE00;
	[tilespmem:s2+$0x13C70] =	vst v0  }
0x24: {  	[tilespmem:s2+$0x13C00] =	vst v0  }
0x25: {  	[tilespmem:s2+$0x13C10] =	vst v0  }
.Ltmp0:
0x26: {  	[tilespmem:s2+$0x13C20] =	vst v0;
	(pc) =	sbr.rel @p0 .LBB2_2-.Ltmp0, $4  }
0x27: {  	[tilespmem:s2+$0x13C30] =	vst v0  }
0x28: {  	[tilespmem:s2+$0x13C40] =	vst v0  }
0x29: {  	[tilespmem:s2+$0x13C50] =	vst v0  }
0x2a: {  	[tilespmem:s2+$0x13C60] =	vst v0;
	s2 =	sshra.s32 s3, $0x2;
	s3 =	sadd.s32 $0x200, s3  }
0x2b: {  	[tilespmem:s2+$0x13C70] =	vst v0  }
0x2c: {  	[tilespmem:s2+$0x13C00] =	vst v0  }
0x2d: {  	[tilespmem:s2+$0x13C10] =	vst v0  }
0x2e: {  	[tilespmem:s2+$0x13C20] =	vst v0  }
0x2f: {  	[tilespmem:s2+$0x13C30] =	vst v0  }
0x30: {  	[tilespmem:s2+$0x13C40] =	vst v0  }
0x31: {  	[tilespmem:s2+$0x13C50] =	vst v0  }
0x32: {  	[tilespmem:s2+$0x13C60] =	vst v0  }
0x33: {  	[spmem:s10] =	stream.linear.scatter [tilespmem:s26], [sflag:$0x4], $0x4000, $0x38;
	[tilespmem:$0x1FD80] =	vst v63  }
0x34: {  	s21 =	rddreg [dreg:$0xb]  }
0x35: {  	[spmem:s21] =	stream.linear.scatter [tilespmem:s26], [sflag:$0x4], $0x4000, $0x38;
	[tilespmem:$0x1FD80] =	vst v63  }
0x36: {  	s22 =	rddreg [dreg:$0xc]  }
0x37: {  	[spmem:s22] =	stream.linear.scatter [tilespmem:s26], [sflag:$0x4], $0x4000, $0x38;
	[tilespmem:$0x1FD80] =	vst v63  }
0x38: {  	s23 =	rddreg [dreg:$0xd]  }
0x39: {  	[spmem:s23] =	stream.linear.scatter [tilespmem:s26], [sflag:$0x4], $0x4000, $0x38;
	[tilespmem:$0x1FD80] =	vst v63  }
0x3a: {  	s24 =	rddreg [dreg:$0xe]  }
0x3b: {  	[spmem:s24] =	stream.linear.scatter [tilespmem:s26], [sflag:$0x4], $0x3C00, $0x38;
	[tilespmem:$0x1FD80] =	vst v63  }
0x3c: {  	_ =	swait.ge [sflag:s28], $0x4000  }
0x3d: {  	[sflag:s28] =	ssyncset.done $0x0  }
0x3e: {  	[sflag:s28] =	ssyncadd.s32 $0xFFFFC000  }
0x3f: {  	_ =	swait.ge [sflag:s28], $0x4000  }
0x40: {  	[sflag:s28] =	ssyncset.done $0x0  }
0x41: {  	[sflag:s28] =	ssyncadd.s32 $0xFFFFC000  }
0x42: {  	_ =	swait.ge [sflag:s28], $0x4000  }
0x43: {  	[sflag:s28] =	ssyncset.done $0x0  }
0x44: {  	[sflag:s28] =	ssyncadd.s32 $0xFFFFC000  }
0x45: {  	_ =	swait.ge [sflag:s28], $0x4000  }
0x46: {  	[sflag:s28] =	ssyncset.done $0x0  }
0x47: {  	[sflag:s28] =	ssyncadd.s32 $0xFFFFC000  }
0x48: {  	_ =	swait.ge [sflag:s28], $0x3C00  }
0x49: {  	[sflag:s28] =	ssyncset.done $0x0  }
0x4a: {  	s25 =	simm.s32 $0x1FC00;
	s23 =	simm.s32 $0x0;
	[sflag:s28] =	ssyncadd.s32 $0xFFFFC400  }
0x4b: {  	[tilespmem:s25], [sflag:$0x1] =	stream.linear.gather [hbm4b:s16+s23], $0x80, $0x38;
	[tilespmem:$0x1FD80] =	vst v63  }
0x4c: {  	p0 =	sle.u32 s6, $0x0;
	s2 =	simm.s32 $0x5  }
0x4d: {  	[tilespmem:s26], [sflag:$0x1] =	stream.linear.gather [hbm4b:s17+s23], $0x4000, $0x38;
	[tilespmem:$0x1FD80] =	vst v63  }
0x4e: {  	s3 =	simm.s32 @!p0 $0x1;
	p1 =	sle.u32 @!p0 s6, $0x3;
	[bflag:$0x0] =	sbarrier.arrive $0xFFFF  }
0x4f: {  	s7 =	simm.s32 @!p0 $0x13C00;
	s8 =	simm.s32 @!p0 $0x5;
	_ =	swait.ge @!p0 [sflag:s3], $0x80  }
0x50: {  	s9 =	simm.s32 @!p0 $0x1FC00;
	p3 =	por p1, p0;
	[sflag:s3] =	ssyncset.done @!p0 $0x0  }
0x51: {  	s11 =	simm.s32 @!p0 $0x80;
	p2 =	por @!p3 $0x1, $0x1;
	[sflag:s3] =	ssyncadd.s32 @!p0 $0xFFFFFF80  }
0x52: {  	s12 =	sadd.s32 @!p3 $0xFFFFFF00, s29;
	p1 =	por @!p0 !p2, p1;
	_ =	swait.ge @!p0 [sflag:s3], $0x4000  }
0x53: {  	s21 =	smov.u32 s15;
	p1 =	por !p1, p0;
	[sflag:s3] =	ssyncset.done @!p0 $0x0  }
0x54: {  	s22 =	smov.u32 s29;
	s21 =	smov.u32 @p1 s12;
	[sflag:s3] =	ssyncadd.s32 @!p0 $0xFFFFC000  }
0x55: {  	[spmem:s4] =	stream.indirect.scatter.add.f32 @!p0 [tilespmem:s7], [sflag:$0x5], $0x80, s9, s11, $0xb8;
	[tilespmem:$0x1FD80] =	vst v63  }
0x56: {  	s24 =	simm.s32 $0x0;
	s25 =	simm.s32 $0x8;
	_ =	swait.ge @!p0 [sflag:s8], $0x4000  }
0x57: {  	s3 =	simm.s32 @!p3 $0x1FC00;
	s7 =	sshrl.u32 @!p3 s21, $0x2;
	[sflag:s8] =	ssyncset.done @!p0 $0x0  }
0x58: {  	s9 =	simm.s32 @!p3 $0x0;
	s7 =	sadd.s32 @!p3 s0, s7;
	[sflag:s8] =	ssyncadd.s32 @!p0 $0xFFFFC000  }
0x59: {  	[tilespmem:s3], [sflag:$0x1] =	stream.linear.gather @!p3 [hbm4b:s7+s9], $0x80, $0x38;
	[tilespmem:$0x1FD80] =	vst v63  }
0x5a: {  	s11 =	rddreg [dreg:$0x5];
	s8 =	simm.s32 @!p3 $0x13C00;
	s7 =	sshll.u32 @!p3 s21, $0x4  }
0x5b: {  	s3 =	simm.s32 $0x0;
	s21 =	smov.u32 s29;
	s12 =	sadd.s32 @!p3 s1, s7  }
.LBB2_4:
0x5c: {  	s7 =	smov.u32 s25  }
0x5d: {  	[tilespmem:s8], [sflag:$0x1] =	stream.linear.gather @!p3 [hbm4b:s12+s9], $0x4000, $0x38;
	[tilespmem:$0x1FD80] =	vst v63  }
0x5e: {  	p3 =	sge.u32 s3, s11;
	s8 =	sadd.s32 $0xFFFFFFFB, s7  }
0x5f: {  	s9 =	simm.s32 @!p3 $0x2;
	p1 =	sge.u32 s8, s6  }
0x60: {  	s23 =	sadd.s32 $0x1, s23;
	_ =	swait.ge @!p3 [sflag:s9], $0x80;
	s11 =	sadd.s32 @!p1 $0xFFFFFFFE, s7  }
0x61: {  	[sflag:s9] =	ssyncset.done @!p3 $0x0;
	p2 =	sge.u32 @!p1 s11, s6;
	s11 =	sadd.s32 @!p3 $0xFFFFFFFF, s2  }
0x62: {  	s12 =	simm.s32 @!p3 $0x1FC80;
	[sflag:s9] =	ssyncadd.s32 @!p3 $0xFFFFFF80;
	p5 =	sge.u32 @!p3 s11, s6  }
0x63: {  	s13 =	simm.s32 @!p3 $0x5;
	_ =	swait.ge @!p3 [sflag:s9], $0x4000;
	p4 =	por p5, p3  }
0x64: {  	s11 =	simm.s32 @!p3 $0x17C00;
	[sflag:s9] =	ssyncset.done @!p3 $0x0;
	p6 =	slt.u32 @!p4 s24, $0x19  }
0x65: {  	s14 =	simm.s32 @!p4 $0x1FC80;
	[sflag:s9] =	ssyncadd.s32 @!p3 $0xFFFFC000;
	s9 =	simm.s32 @!p3 $0x80  }
0x66: {  	[spmem:s4] =	stream.indirect.scatter.add.f32 @!p3 [tilespmem:s11], [sflag:$0x5], $0x80, s12, s9, $0xb8;
	[tilespmem:$0x1FD80] =	vst v63  }
0x67: {  	p5 =	por @!p3 !p6, p5;
	s9 =	sadd.s32 @!p4 $0xFFFFFF80, s21;
	_ =	swait.ge @!p3 [sflag:s13], $0x4000  }
0x68: {  	s11 =	smov.u32 s15;
	p5 =	por !p5, p3;
	[sflag:s13] =	ssyncset.done @!p3 $0x0  }
0x69: {  	s11 =	smov.u32 @p5 s9;
	s18 =	rddreg [dreg:$0x6];
	[sflag:s13] =	ssyncadd.s32 @!p3 $0xFFFFC000  }
0x6a: {  	s12 =	sshrl.u32 @!p4 s11, $0x2;
	s11 =	sshll.u32 @!p4 s11, $0x4;
	s13 =	simm.s32 @!p4 $0x0  }
0x6b: {  	p3 =	sge.u32 s3, s18;
	s3 =	smov.u32 s8;
	s12 =	sadd.s32 @!p4 s0, s12  }
0x6c: {  	[tilespmem:s14], [sflag:$0x2] =	stream.linear.gather @!p4 [hbm4b:s12+s13], $0x80, $0x38;
	[tilespmem:$0x1FD80] =	vst v63  }
0x6d: {  	s11 =	sadd.s32 @!p4 s1, s11;
	s8 =	simm.s32 @!p3 $0x3;
	s12 =	simm.s32 @!p4 $0x17C00  }
0x6e: {  	[tilespmem:s12], [sflag:$0x2] =	stream.linear.gather @!p4 [hbm4b:s11+s13], $0x4000, $0x38;
	[tilespmem:$0x1FD80] =	vst v63  }
0x6f: {  	s22 =	sadd.s32 $0x180, s22;
	s25 =	sadd.s32 $0x3, s25;
	_ =	swait.ge @!p3 [sflag:s8], $0x80  }
0x70: {  	p0 =	sne.s32 s25, $0x56;
	s18 =	smov.u32 s15;
	[sflag:s8] =	ssyncset.done @!p3 $0x0  }
0x71: {  	p5 =	sge.u32 @!p3 s2, s6;
	s2 =	smov.u32 s7;
	[sflag:s8] =	ssyncadd.s32 @!p3 $0xFFFFFF80  }
0x72: {  	s7 =	simm.s32 @!p3 $0x1FD00;
	p4 =	por p5, p3;
	_ =	swait.ge @!p3 [sflag:s8], $0x4000  }
0x73: {  	s11 =	simm.s32 @!p3 $0x1BC00;
	p6 =	slt.u32 @!p4 s24, $0x19;
	[sflag:s8] =	ssyncset.done @!p3 $0x0  }
0x74: {  	s13 =	simm.s32 @!p3 $0x80;
	p5 =	por @!p3 !p6, p5;
	[sflag:s8] =	ssyncadd.s32 @!p3 $0xFFFFC000  }
0x75: {  	[spmem:s4] =	stream.indirect.scatter.add.f32 @!p3 [tilespmem:s11], [sflag:$0x5], $0x80, s7, s13, $0xb8;
	[tilespmem:$0x1FD80] =	vst v63  }
0x76: {  	s9 =	simm.s32 @!p3 $0x5;
	p5 =	por !p5, p3;
	s7 =	smov.u32 s15  }
0x77: {  	s8 =	simm.s32 @!p4 $0x1FD00;
	_ =	swait.ge @!p3 [sflag:s9], $0x4000;
	s7 =	smov.u32 @p5 s21  }
0x78: {  	s11 =	simm.s32 @!p4 $0x0;
	[sflag:s9] =	ssyncset.done @!p3 $0x0;
	s13 =	sshrl.u32 @!p4 s7, $0x2  }
0x79: {  	s7 =	sshll.u32 @!p4 s7, $0x4;
	[sflag:s9] =	ssyncadd.s32 @!p3 $0xFFFFC000;
	s9 =	sadd.s32 @!p4 s0, s13  }
0x7a: {  	[tilespmem:s8], [sflag:$0x3] =	stream.linear.gather @!p4 [hbm4b:s9+s11], $0x80, $0x38;
	[tilespmem:$0x1FD80] =	vst v63  }
0x7b: {  	s12 =	simm.s32 @!p4 $0x1BC00;
	s7 =	sadd.s32 @!p4 s1, s7;
	s9 =	simm.s32 @!p1 $0x1  }
0x7c: {  	[tilespmem:s12], [sflag:$0x3] =	stream.linear.gather @!p4 [hbm4b:s7+s11], $0x4000, $0x38;
	[tilespmem:$0x1FD80] =	vst v63  }
0x7d: {  	s24 =	smov.u32 s23;
	s21 =	smov.u32 s22;
	_ =	swait.ge @!p1 [sflag:s9], $0x80  }
0x7e: {  	p3 =	por p2, p1;
	s13 =	simm.s32 @!p1 $0x80;
	[sflag:s9] =	ssyncset.done @!p1 $0x0  }
0x7f: {  	s8 =	simm.s32 @!p3 $0x13C00;
	s14 =	sadd.s32 @!p3 $0xFFFFFF00, s22;
	[sflag:s9] =	ssyncadd.s32 @!p1 $0xFFFFFF80  }
0x80: {  	s7 =	simm.s32 @!p1 $0x13C00;
	p4 =	slt.u32 @!p3 s23, $0x19;
	_ =	swait.ge @!p1 [sflag:s9], $0x4000  }
0x81: {  	s11 =	simm.s32 @!p1 $0x5;
	p2 =	por @!p1 !p4, p2;
	[sflag:s9] =	ssyncset.done @!p1 $0x0  }
0x82: {  	s12 =	simm.s32 @!p1 $0x1FC00;
	p2 =	por !p2, p1;
	[sflag:s9] =	ssyncadd.s32 @!p1 $0xFFFFC000  }
0x83: {  	[spmem:s4] =	stream.indirect.scatter.add.f32 @!p1 [tilespmem:s7], [sflag:$0x5], $0x80, s12, s13, $0xb8;
	[tilespmem:$0x1FD80] =	vst v63  }
.Ltmp1:
0x84: {  	s18 =	smov.u32 @p2 s14;
	s14 =	simm.s32 @!p3 $0x1FC00;
	(pc) =	sbr.rel @p0 .LBB2_4-.Ltmp1, $4  }
0x85: {  	s9 =	simm.s32 @!p3 $0x0;
	s7 =	sshrl.u32 @!p3 s18, $0x2;
	_ =	swait.ge @!p1 [sflag:s11], $0x4000  }
0x86: {  	s12 =	sshll.u32 @!p3 s18, $0x4;
	s7 =	sadd.s32 @!p3 s0, s7;
	[sflag:s11] =	ssyncset.done @!p1 $0x0  }
0x87: {  	s12 =	sadd.s32 @!p3 s1, s12;
	[sflag:s11] =	ssyncadd.s32 @!p1 $0xFFFFC000;
	s11 =	rddreg [dreg:$0x5]  }
0x88: {  	[tilespmem:s14], [sflag:$0x1] =	stream.linear.gather @!p3 [hbm4b:s7+s9], $0x80, $0x38;
	[tilespmem:$0x1FD80] =	vst v63  }
0x89: {  	[tilespmem:s8], [sflag:$0x1] =	stream.linear.gather @!p3 [hbm4b:s12+s9], $0x4000, $0x38;
	[tilespmem:$0x1FD80] =	vst v63  }
0x8a: {  	p0 =	sge.u32 s3, s11  }
0x8b: {  	s7 =	simm.s32 @!p0 $0x2  }
0x8c: {  	s8 =	sadd.s32 @!p0 $0xFFFFFFFF, s2;
	_ =	swait.ge @!p0 [sflag:s7], $0x80  }
0x8d: {  	s9 =	simm.s32 @!p0 $0x1FC80;
	p2 =	sge.u32 @!p0 s8, s6;
	[sflag:s7] =	ssyncset.done @!p0 $0x0  }
0x8e: {  	s11 =	simm.s32 @!p0 $0x17C00;
	p1 =	por p2, p0;
	[sflag:s7] =	ssyncadd.s32 @!p0 $0xFFFFFF80  }
0x8f: {  	s8 =	simm.s32 @!p0 $0x5;
	p3 =	slt.u32 @!p1 s24, $0x19;
	_ =	swait.ge @!p0 [sflag:s7], $0x4000  }
0x90: {  	s12 =	simm.s32 @!p1 $0x0;
	p2 =	por @!p0 !p3, p2;
	[sflag:s7] =	ssyncset.done @!p0 $0x0  }
0x91: {  	p2 =	por !p2, p0;
	[sflag:s7] =	ssyncadd.s32 @!p0 $0xFFFFC000;
	s7 =	simm.s32 @!p0 $0x80  }
0x92: {  	[spmem:s4] =	stream.indirect.scatter.add.f32 @!p0 [tilespmem:s11], [sflag:$0x5], $0x80, s9, s7, $0xb8;
	[tilespmem:$0x1FD80] =	vst v63  }
0x93: {  	s7 =	sadd.s32 @!p1 $0xFFFFFF80, s21;
	s9 =	smov.u32 s15;
	_ =	swait.ge @!p0 [sflag:s8], $0x4000  }
0x94: {  	s11 =	simm.s32 @!p1 $0x1FC80;
	s9 =	smov.u32 @p2 s7;
	[sflag:s8] =	ssyncset.done @!p0 $0x0  }
0x95: {  	s23 =	rddreg [dreg:$0x6];
	[sflag:s8] =	ssyncadd.s32 @!p0 $0xFFFFC000;
	s8 =	sshrl.u32 @!p1 s9, $0x2  }
0x96: {  	s9 =	sshll.u32 @!p1 s9, $0x4;
	p0 =	sge.u32 s3, s23;
	s8 =	sadd.s32 @!p1 s0, s8  }
0x97: {  	[tilespmem:s11], [sflag:$0x2] =	stream.linear.gather @!p1 [hbm4b:s8+s12], $0x80, $0x38;
	[tilespmem:$0x1FD80] =	vst v63  }
0x98: {  	s3 =	simm.s32 @!p0 $0x3;
	s8 =	sadd.s32 @!p1 s1, s9;
	s9 =	simm.s32 @!p1 $0x17C00  }
0x99: {  	[tilespmem:s9], [sflag:$0x2] =	stream.linear.gather @!p1 [hbm4b:s8+s12], $0x4000, $0x38;
	[tilespmem:$0x1FD80] =	vst v63  }
0x9a: {  	_ =	swait.ge @!p0 [sflag:s3], $0x80  }
0x9b: {  	[sflag:s3] =	ssyncset.done @!p0 $0x0  }
0x9c: {  	s31 =	sadd.s32 $0x1, s31;
	p2 =	sge.u32 @!p0 s2, s6;
	[sflag:s3] =	ssyncadd.s32 @!p0 $0xFFFFFF80  }
0x9d: {  	s2 =	simm.s32 @!p0 $0x1FD00;
	p1 =	por p2, p0;
	_ =	swait.ge @!p0 [sflag:s3], $0x4000  }
0x9e: {  	s8 =	simm.s32 @!p0 $0x1BC00;
	p3 =	slt.u32 @!p1 s24, $0x19;
	[sflag:s3] =	ssyncset.done @!p0 $0x0  }
0x9f: {  	s9 =	simm.s32 @!p0 $0x80;
	p2 =	por @!p0 !p3, p2;
	[sflag:s3] =	ssyncadd.s32 @!p0 $0xFFFFC000  }
0xa0: {  	[spmem:s4] =	stream.indirect.scatter.add.f32 @!p0 [tilespmem:s8], [sflag:$0x5], $0x80, s2, s9, $0xb8;
	[tilespmem:$0x1FD80] =	vst v63  }
0xa1: {  	s7 =	simm.s32 @!p0 $0x5;
	p2 =	por !p2, p0;
	s2 =	smov.u32 s15  }
0xa2: {  	s3 =	simm.s32 @!p1 $0x1FD00;
	_ =	swait.ge @!p0 [sflag:s7], $0x4000;
	s2 =	smov.u32 @p2 s21  }
0xa3: {  	s8 =	simm.s32 @!p1 $0x0;
	[sflag:s7] =	ssyncset.done @!p0 $0x0;
	s9 =	sshrl.u32 @!p1 s2, $0x2  }
0xa4: {  	s2 =	sshll.u32 @!p1 s2, $0x4;
	[sflag:s7] =	ssyncadd.s32 @!p0 $0xFFFFC000;
	s7 =	sadd.s32 @!p1 s0, s9  }
0xa5: {  	[tilespmem:s3], [sflag:$0x3] =	stream.linear.gather @!p1 [hbm4b:s7+s8], $0x80, $0x38;
	[tilespmem:$0x1FD80] =	vst v63  }
0xa6: {  	s24 =	stileid.u32;
	s2 =	sadd.s32 @!p1 s1, s2;
	s3 =	simm.s32 @!p1 $0x1BC00  }
0xa7: {  	[tilespmem:s3], [sflag:$0x3] =	stream.linear.gather @!p1 [hbm4b:s2+s8], $0x4000, $0x38;
	[tilespmem:$0x1FD80] =	vst v63  }
0xa8: {  	s25 =	sshrl.u32 s10, $0x3;
	p0 =	sne.s32 s31, s20;
	s2 =	sshll.u32 s24, $0x6  }
.Ltmp2:
0xa9: {  	[bflag:$0x0] =	sbarrier.arrive $0xFFFF;
	s2 =	sor.u32 $0x1C05, s2;
	(pc) =	sbr.rel @p0 .LBB2_1-.Ltmp2, $4  }
0xaa: {  	[hbm:s19], [sflag:s2] =	dma.local [spmem:s25], $0x2780  }
0xab: {  	_ =	swait.ge [sflag:s30], $0x2780  }
0xac: {  	[sflag:s30] =	ssyncset.done $0x0  }
0xad: {  	[sflag:s30] =	ssyncadd.s32 $0xFFFFD880  }
0xae: {  	_ =	sfence.sel $0x180000  }
0xaf: {  	[bflag:$0x0] =	sbarrier.arrive $0xFFFF  }
0xb0: {  	_ =	strace $0x90000047  }
0xb1: {  	s0 =	stileid.u32;
	[bflag:$0x2] =	sbarrier.arrive $0xFFFF  }
0xb2: {  	p0 =	sne.s32 s0, $0x0;
	s0 =	rddreg [dreg:$0x4]  }
0xb3: {  	s0 =	sadd.s32 @!p0 $0x100000, s0  }
0xb4: {  	[sflag:s0] =	ssyncadd.tile.s32 @!p0 $0x1;
	_ =	shalt  }
.Lfunc_end2:
_tile_overlayer_lowered:
.L_overlay_start_2:
0xb5: {  	(tag) =	ssettag $0x2  }
0xb6: {  	s0 =	rddreg [dreg:$0x0];
	s2 =	stileid.u32  }
0xb7: {  	s1 =	rddreg [dreg:$0x1];
	p0 =	sne.s32 s2, $0x0  }
0xb8: {  	s3 =	rddreg [dreg:$0x2];
	[bflag:$0x3] =	sbarrier.arrive $0xFFFF;
	s2 =	simm.s32 @!p0 $0x1C05  }
0xb9: {  	[timem:s3], [sflag:s2] =	dma.local @!p0 [hbm:s0], s1  }
0xba: {  	s0 =	simm.s32 @!p0 $0x5  }
0xbb: {  	_ =	swait.ge @!p0 [sflag:s0], s1  }
0xbc: {  	s1 =	ssub.s32 @!p0 $0x0, s1;
	[sflag:s0] =	ssyncset.done @!p0 $0x0  }
0xbd: {  	[sflag:s0] =	ssyncadd.s32 @!p0 s1  }
0xbe: {  	[bflag:$0x3] =	sbarrier.arrive $0xFFFF  }
0xbf: {  	_ =	shalt  }

</sc_bundles>
